<compile_context>
chip_gen: v7x
topology: tpu7x:2x2x1
jax: 0.10.2.dev20260603
libtpu: 0.0.44.dev20260713+nightly
codegen_flags: <defaults>
</compile_context>

<pallas_src>
import functools

import jax
import jax.numpy as jnp
from jax import lax
from jax.experimental import pallas as pl
from jax.experimental.pallas import tpu as pltpu
from jax.experimental.pallas import tpu_sc as plsc

BATCH = 16384
FACTOR = 32
VOCAB = 1000000
ROWS128 = VOCAB * FACTOR // 128

_info = plsc.get_sparse_core_info()
_NC, _NS, _L = _info.num_cores, _info.num_subcores, _info.num_lanes
_NW = _NC * _NS
_BPW = BATCH // _NW
_CH = 256
_NCH = _BPW // _CH

_mesh = plsc.VectorSubcoreMesh(core_axis_name="c", subcore_axis_name="s")


@functools.partial(
    pl.kernel,
    mesh=_mesh,
    compiler_params=pltpu.CompilerParams(needs_layout_passes=False),
    out_type=(
        jax.ShapeDtypeStruct((BATCH,), jnp.float32),
        jax.ShapeDtypeStruct((BATCH,), jnp.float32),
    ),
    scratch_types=[
        pltpu.VMEM((_BPW,), jnp.int32),
        pltpu.VMEM((_BPW,), jnp.int32),
        pltpu.VMEM((_BPW,), jnp.int32),
        pltpu.VMEM((_CH,), jnp.int32),
        pltpu.VMEM((_CH,), jnp.int32),
        pltpu.VMEM((_CH,), jnp.int32),
        pltpu.VMEM((_CH, 128), jnp.float32),
        pltpu.VMEM((_CH, 128), jnp.float32),
        pltpu.VMEM((_CH, 128), jnp.float32),
        pltpu.VMEM((_BPW,), jnp.float32),
        pltpu.VMEM((_BPW,), jnp.float32),
        pltpu.SemaphoreType.DMA,
    ],
)
def _bpr_sc(user_hbm, item_i_hbm, item_j_hbm, uw_hbm, iw_hbm,
            out_i_hbm, out_j_hbm,
            u_idx, i_idx, j_idx, u_bid, i_bid, j_bid,
            u_buf, i_buf, j_buf, pred_i_v, pred_j_v, sem):
    wid = lax.axis_index("s") * _NC + lax.axis_index("c")
    base = wid * _BPW

    pltpu.sync_copy(user_hbm.at[pl.ds(base, _BPW)], u_idx)
    pltpu.sync_copy(item_i_hbm.at[pl.ds(base, _BPW)], i_idx)
    pltpu.sync_copy(item_j_hbm.at[pl.ds(base, _BPW)], j_idx)

    for c in range(_NCH):
        off = c * _CH

        def bid_body(g, carry):
            u0 = g * _L
            for idx_ref, bid_ref in ((u_idx, u_bid), (i_idx, i_bid),
                                     (j_idx, j_bid)):
                bid_ref[pl.ds(u0, _L)] = idx_ref[pl.ds(off + u0, _L)] >> 2
            return carry

        lax.fori_loop(0, _CH // _L, bid_body, 0)

        cp_u = pltpu.async_copy(uw_hbm.at[u_bid], u_buf, sem)
        cp_i = pltpu.async_copy(iw_hbm.at[i_bid], i_buf, sem)
        cp_j = pltpu.async_copy(iw_hbm.at[j_bid], j_buf, sem)
        cp_u.wait()
        cp_i.wait()
        cp_j.wait()

        def dot_body(g, carry):
            u0 = g * _L
            rows = u0 + lax.iota(jnp.int32, _L)
            lane_u = (u_idx[pl.ds(off + u0, _L)] & 3) * 32
            lane_i = (i_idx[pl.ds(off + u0, _L)] & 3) * 32
            lane_j = (j_idx[pl.ds(off + u0, _L)] & 3) * 32
            acc_i = jnp.zeros((_L,), jnp.float32)
            acc_j = jnp.zeros((_L,), jnp.float32)
            for f in range(FACTOR):
                uv = plsc.load_gather(u_buf, [rows, lane_u + f])
                iv = plsc.load_gather(i_buf, [rows, lane_i + f])
                jv = plsc.load_gather(j_buf, [rows, lane_j + f])
                acc_i = acc_i + uv * iv
                acc_j = acc_j + uv * jv
            pred_i_v[pl.ds(off + u0, _L)] = acc_i
            pred_j_v[pl.ds(off + u0, _L)] = acc_j
            return carry

        lax.fori_loop(0, _CH // _L, dot_body, 0)

    pltpu.sync_copy(pred_i_v, out_i_hbm.at[pl.ds(base, _BPW)])
    pltpu.sync_copy(pred_j_v, out_j_hbm.at[pl.ds(base, _BPW)])


def kernel(user, item_i, item_j, embed_user_weight, embed_item_weight):
    user = user.astype(jnp.int32)
    item_i = item_i.astype(jnp.int32)
    item_j = item_j.astype(jnp.int32)
    uw = embed_user_weight.reshape(ROWS128, 128)
    iw = embed_item_weight.reshape(ROWS128, 128)
    return _bpr_sc(user, item_i, item_j, uw, iw)

# --- scband reference (transcript-rebuilt; emitter-appended) ---
"""Pipeline reference for scband-bpr-89464168776089 (READ-ONLY COPY).

The authoritative reference and input builder live on the scoring server;
editing this copy changes nothing except your own understanding.
"""

import jax, jax.numpy as jnp
import numpy as np

USER_NUM = 1000000
ITEM_NUM = 1000000
FACTOR_NUM = 32
BATCH = 16384


def setup_inputs(seed: int = 0) -> dict:
    key = jax.random.key(seed)
    k1, k2, k3, k4, k5 = jax.random.split(key, 5)
    user = jax.random.randint(k1, (BATCH,), 0, USER_NUM, dtype=jnp.int64 if jax.config.jax_enable_x64 else jnp.int32)
    item_i = jax.random.randint(k2, (BATCH,), 0, ITEM_NUM, dtype=jnp.int64 if jax.config.jax_enable_x64 else jnp.int32)
    item_j = jax.random.randint(k3, (BATCH,), 0, ITEM_NUM, dtype=jnp.int64 if jax.config.jax_enable_x64 else jnp.int32)
    embed_user_weight = jax.random.normal(k4, (USER_NUM, FACTOR_NUM), dtype=jnp.float32) * 0.01
    embed_item_weight = jax.random.normal(k5, (ITEM_NUM, FACTOR_NUM), dtype=jnp.float32) * 0.01
    return {
        "user": user,
        "item_i": item_i,
        "item_j": item_j,
        "embed_user_weight": embed_user_weight,
        "embed_item_weight": embed_item_weight,
    }


def reference(user, item_i, item_j, embed_user_weight, embed_item_weight):
    user_e = jnp.take(embed_user_weight, user, axis=0)
    item_i_e = jnp.take(embed_item_weight, item_i, axis=0)
    item_j_e = jnp.take(embed_item_weight, item_j, axis=0)
    prediction_i = (user_e * item_i_e).sum(axis=-1)
    prediction_j = (user_e * item_j_e).sum(axis=-1)
    return (prediction_i, prediction_j)

if __name__ == "__main__":
    import jax
    _d = setup_inputs()
    print(jax.jit(kernel)(*tuple(_d.values())))

</pallas_src>

<mosaic_0001>
#map = affine_map<(d0, d1) -> (0)>
#map1 = affine_map<(d0, d1) -> (0, 0)>
module attributes {stable_mosaic.version = 14 : i64} {
  func.func @_bpr_sc(%arg0: i32, %arg1: i32, %arg2: memref<16384xi32, #tpu.memory_space<hbm>>, %arg3: memref<16384xi32, #tpu.memory_space<hbm>>, %arg4: memref<16384xi32, #tpu.memory_space<hbm>>, %arg5: memref<250000x128xf32, #tpu.memory_space<hbm>>, %arg6: memref<250000x128xf32, #tpu.memory_space<hbm>>, %arg7: memref<16384xf32, #tpu.memory_space<hbm>>, %arg8: memref<16384xf32, #tpu.memory_space<hbm>>, %arg9: memref<512xi32, #tpu.memory_space<vmem>>, %arg10: memref<512xi32, #tpu.memory_space<vmem>>, %arg11: memref<512xi32, #tpu.memory_space<vmem>>, %arg12: memref<256xi32, #tpu.memory_space<vmem>>, %arg13: memref<256xi32, #tpu.memory_space<vmem>>, %arg14: memref<256xi32, #tpu.memory_space<vmem>>, %arg15: memref<256x128xf32, #tpu.memory_space<vmem>>, %arg16: memref<256x128xf32, #tpu.memory_space<vmem>>, %arg17: memref<256x128xf32, #tpu.memory_space<vmem>>, %arg18: memref<512xf32, #tpu.memory_space<vmem>>, %arg19: memref<512xf32, #tpu.memory_space<vmem>>, %arg20: memref<!tpu.dma_semaphore, #tpu.memory_space<semaphore_mem>>) attributes {dimension_semantics = [#tpu.dimension_semantics<core_parallel>, #tpu.dimension_semantics<subcore_parallel>], iteration_bounds = array<i64: 2, 16>, scalar_prefetch = 0 : i64, scratch_operands = 12 : i64, tpu.core_type = #tpu.core_type<sc_vector_subcore>, window_params = [{transform_indices = #map}, {transform_indices = #map}, {transform_indices = #map}, {transform_indices = #map1}, {transform_indices = #map1}, {transform_indices = #map}, {transform_indices = #map}]} {
    %mul3A = arith.constant 2 : i32
    %mul3A_0 = arith.muli %arg1, %mul3A : i32
    %add3A = arith.addi %mul3A_0, %arg0 : i32
    %mul3A_1 = arith.constant 512 : i32
    %mul3A_2 = arith.muli %add3A, %mul3A_1 : i32
    "tpu.region"() ({
      %run_scoped3A = tpu.sem_alloc : memref<!tpu.dma_semaphore, #tpu.memory_space<semaphore_mem>>
      %dma_start3A_60 = tpu.memref_slice %arg2[%mul3A_2] : memref<16384xi32, #tpu.memory_space<hbm>> -> memref<512xi32, #tpu.memory_space<hbm>>
      %dma_start3A_61 = tpu.memref_slice %arg2[%mul3A_2] : memref<16384xi32, #tpu.memory_space<hbm>> -> memref<512xi32, #tpu.memory_space<hbm>>
      tpu.enqueue_dma source(%dma_start3A_61 : memref<512xi32, #tpu.memory_space<hbm>>) target(%arg9 : memref<512xi32, #tpu.memory_space<vmem>>) target_semaphore(%run_scoped3A : memref<!tpu.dma_semaphore, #tpu.memory_space<semaphore_mem>>)
      %dma_wait3A_62 = tpu.memref_slice %arg2[%mul3A_2] : memref<16384xi32, #tpu.memory_space<hbm>> -> memref<512xi32, #tpu.memory_space<hbm>>
      %dma_wait3A_63 = tpu.memref_slice %arg2[%mul3A_2] : memref<16384xi32, #tpu.memory_space<hbm>> -> memref<512xi32, #tpu.memory_space<hbm>>
      tpu.wait_dma2 semaphore(%run_scoped3A : memref<!tpu.dma_semaphore, #tpu.memory_space<semaphore_mem>>) src(%dma_wait3A_63 : memref<512xi32, #tpu.memory_space<hbm>>) dst(%arg9 : memref<512xi32, #tpu.memory_space<vmem>>)
      tpu.yield
    }) : () -> ()
    "tpu.region"() ({
      %run_scoped3A = tpu.sem_alloc : memref<!tpu.dma_semaphore, #tpu.memory_space<semaphore_mem>>
      %dma_start3A_60 = tpu.memref_slice %arg3[%mul3A_2] : memref<16384xi32, #tpu.memory_space<hbm>> -> memref<512xi32, #tpu.memory_space<hbm>>
      %dma_start3A_61 = tpu.memref_slice %arg3[%mul3A_2] : memref<16384xi32, #tpu.memory_space<hbm>> -> memref<512xi32, #tpu.memory_space<hbm>>
      tpu.enqueue_dma source(%dma_start3A_61 : memref<512xi32, #tpu.memory_space<hbm>>) target(%arg10 : memref<512xi32, #tpu.memory_space<vmem>>) target_semaphore(%run_scoped3A : memref<!tpu.dma_semaphore, #tpu.memory_space<semaphore_mem>>)
      %dma_wait3A_62 = tpu.memref_slice %arg3[%mul3A_2] : memref<16384xi32, #tpu.memory_space<hbm>> -> memref<512xi32, #tpu.memory_space<hbm>>
      %dma_wait3A_63 = tpu.memref_slice %arg3[%mul3A_2] : memref<16384xi32, #tpu.memory_space<hbm>> -> memref<512xi32, #tpu.memory_space<hbm>>
      tpu.wait_dma2 semaphore(%run_scoped3A : memref<!tpu.dma_semaphore, #tpu.memory_space<semaphore_mem>>) src(%dma_wait3A_63 : memref<512xi32, #tpu.memory_space<hbm>>) dst(%arg10 : memref<512xi32, #tpu.memory_space<vmem>>)
      tpu.yield
    }) : () -> ()
    "tpu.region"() ({
      %run_scoped3A = tpu.sem_alloc : memref<!tpu.dma_semaphore, #tpu.memory_space<semaphore_mem>>
      %dma_start3A_60 = tpu.memref_slice %arg4[%mul3A_2] : memref<16384xi32, #tpu.memory_space<hbm>> -> memref<512xi32, #tpu.memory_space<hbm>>
      %dma_start3A_61 = tpu.memref_slice %arg4[%mul3A_2] : memref<16384xi32, #tpu.memory_space<hbm>> -> memref<512xi32, #tpu.memory_space<hbm>>
      tpu.enqueue_dma source(%dma_start3A_61 : memref<512xi32, #tpu.memory_space<hbm>>) target(%arg11 : memref<512xi32, #tpu.memory_space<vmem>>) target_semaphore(%run_scoped3A : memref<!tpu.dma_semaphore, #tpu.memory_space<semaphore_mem>>)
      %dma_wait3A_62 = tpu.memref_slice %arg4[%mul3A_2] : memref<16384xi32, #tpu.memory_space<hbm>> -> memref<512xi32, #tpu.memory_space<hbm>>
      %dma_wait3A_63 = tpu.memref_slice %arg4[%mul3A_2] : memref<16384xi32, #tpu.memory_space<hbm>> -> memref<512xi32, #tpu.memory_space<hbm>>
      tpu.wait_dma2 semaphore(%run_scoped3A : memref<!tpu.dma_semaphore, #tpu.memory_space<semaphore_mem>>) src(%dma_wait3A_63 : memref<512xi32, #tpu.memory_space<hbm>>) dst(%arg11 : memref<512xi32, #tpu.memory_space<vmem>>)
      tpu.yield
    }) : () -> ()
    %scan3A = arith.constant 0 : i32
    %scan3A_3 = arith.constant 0 : i32
    %scan3A_4 = arith.constant 16 : i32
    %scan3A_5 = arith.addi %scan3A_3, %scan3A_4 : i32
    %scan3A_6 = arith.constant 1 : i32
    scf.for %scan3A_60 = %scan3A_3 to %scan3A_5 step %scan3A_6  : i32 {
      %mul3A_61 = arith.constant 16 : i32
      %mul3A_62 = arith.muli %scan3A_60, %mul3A_61 : i32
      %add3A_63 = arith.constant 0 : i32
      %add3A_64 = arith.addi %add3A_63, %mul3A_62 : i32
      %get3A = arith.index_cast %add3A_64 : i32 to index
      %get3A_65 = tpu.vector_load %arg9[%get3A] {strides = array<i32>} : memref<512xi32, #tpu.memory_space<vmem>>, vector<16xi32>,
      %shift_right_arithmetic3A = arith.constant 2 : i32
      %shift_right_arithmetic3A_66 = vector.broadcast %shift_right_arithmetic3A : i32 to vector<16xi32>
      %shift_right_arithmetic3A_67 = arith.shrsi %get3A_65, %shift_right_arithmetic3A_66 : vector<16xi32>
      %swap3A = arith.index_cast %mul3A_62 : i32 to index
      %swap3A_68 = tpu.vector_load %arg12[%swap3A] {strides = array<i32>} : memref<256xi32, #tpu.memory_space<vmem>>, vector<16xi32>,
      tpu.vector_store %arg12[%swap3A], %shift_right_arithmetic3A_67 {strides = array<i32>} : memref<256xi32, #tpu.memory_space<vmem>>, vector<16xi32>,
      %add3A_69 = arith.constant 0 : i32
      %add3A_70 = arith.addi %add3A_69, %mul3A_62 : i32
      %get3A_71 = arith.index_cast %add3A_70 : i32 to index
      %get3A_72 = tpu.vector_load %arg10[%get3A_71] {strides = array<i32>} : memref<512xi32, #tpu.memory_space<vmem>>, vector<16xi32>,
      %shift_right_arithmetic3A_73 = arith.constant 2 : i32
      %shift_right_arithmetic3A_74 = vector.broadcast %shift_right_arithmetic3A_73 : i32 to vector<16xi32>
      %shift_right_arithmetic3A_75 = arith.shrsi %get3A_72, %shift_right_arithmetic3A_74 : vector<16xi32>
      %swap3A_76 = arith.index_cast %mul3A_62 : i32 to index
      %swap3A_77 = tpu.vector_load %arg13[%swap3A_76] {strides = array<i32>} : memref<256xi32, #tpu.memory_space<vmem>>, vector<16xi32>,
      tpu.vector_store %arg13[%swap3A_76], %shift_right_arithmetic3A_75 {strides = array<i32>} : memref<256xi32, #tpu.memory_space<vmem>>, vector<16xi32>,
      %add3A_78 = arith.constant 0 : i32
      %add3A_79 = arith.addi %add3A_78, %mul3A_62 : i32
      %get3A_80 = arith.index_cast %add3A_79 : i32 to index
      %get3A_81 = tpu.vector_load %arg11[%get3A_80] {strides = array<i32>} : memref<512xi32, #tpu.memory_space<vmem>>, vector<16xi32>,
      %shift_right_arithmetic3A_82 = arith.constant 2 : i32
      %shift_right_arithmetic3A_83 = vector.broadcast %shift_right_arithmetic3A_82 : i32 to vector<16xi32>
      %shift_right_arithmetic3A_84 = arith.shrsi %get3A_81, %shift_right_arithmetic3A_83 : vector<16xi32>
      %swap3A_85 = arith.index_cast %mul3A_62 : i32 to index
      %swap3A_86 = tpu.vector_load %arg14[%swap3A_85] {strides = array<i32>} : memref<256xi32, #tpu.memory_space<vmem>>, vector<16xi32>,
      tpu.vector_store %arg14[%swap3A_85], %shift_right_arithmetic3A_84 {strides = array<i32>} : memref<256xi32, #tpu.memory_space<vmem>>, vector<16xi32>,
    }
    %scan3A_7 = arith.constant 16 : i32
    %dma_start3A = arith.constant 0 : i32
    %dma_start3A_8 = arith.constant 0 : i32
    %dma_start3A_9 = tpu.memref_slice %arg5[%dma_start3A, %dma_start3A_8] : memref<250000x128xf32, #tpu.memory_space<hbm>> -> memref<250000x128xf32, #tpu.memory_space<hbm>>
    tpu.enqueue_indirect_dma source(%dma_start3A_9 : memref<250000x128xf32, #tpu.memory_space<hbm>>) target(%arg15 : memref<256x128xf32, #tpu.memory_space<vmem>>) offsets(%arg12 : memref<256xi32, #tpu.memory_space<vmem>>) semaphore(%arg20 : memref<!tpu.dma_semaphore, #tpu.memory_space<semaphore_mem>>)
    %dma_start3A_10 = arith.constant 0 : i32
    %dma_start3A_11 = arith.constant 0 : i32
    %dma_start3A_12 = tpu.memref_slice %arg6[%dma_start3A_10, %dma_start3A_11] : memref<250000x128xf32, #tpu.memory_space<hbm>> -> memref<250000x128xf32, #tpu.memory_space<hbm>>
    tpu.enqueue_indirect_dma source(%dma_start3A_12 : memref<250000x128xf32, #tpu.memory_space<hbm>>) target(%arg16 : memref<256x128xf32, #tpu.memory_space<vmem>>) offsets(%arg13 : memref<256xi32, #tpu.memory_space<vmem>>) semaphore(%arg20 : memref<!tpu.dma_semaphore, #tpu.memory_space<semaphore_mem>>)
    %dma_start3A_13 = arith.constant 0 : i32
    %dma_start3A_14 = arith.constant 0 : i32
    %dma_start3A_15 = tpu.memref_slice %arg6[%dma_start3A_13, %dma_start3A_14] : memref<250000x128xf32, #tpu.memory_space<hbm>> -> memref<250000x128xf32, #tpu.memory_space<hbm>>
    tpu.enqueue_indirect_dma source(%dma_start3A_15 : memref<250000x128xf32, #tpu.memory_space<hbm>>) target(%arg17 : memref<256x128xf32, #tpu.memory_space<vmem>>) offsets(%arg14 : memref<256xi32, #tpu.memory_space<vmem>>) semaphore(%arg20 : memref<!tpu.dma_semaphore, #tpu.memory_space<semaphore_mem>>)
    %dma_wait3A = arith.constant 0 : i32
    %dma_wait3A_16 = arith.constant 0 : i32
    %dma_wait3A_17 = tpu.memref_slice %arg5[%dma_wait3A, %dma_wait3A_16] : memref<250000x128xf32, #tpu.memory_space<hbm>> -> memref<250000x128xf32, #tpu.memory_space<hbm>>
    tpu.wait_indirect_dma semaphore(%arg20 : memref<!tpu.dma_semaphore, #tpu.memory_space<semaphore_mem>>) src(%dma_wait3A_17 : memref<250000x128xf32, #tpu.memory_space<hbm>>) dst(%arg15 : memref<256x128xf32, #tpu.memory_space<vmem>>)
    %dma_wait3A_18 = arith.constant 0 : i32
    %dma_wait3A_19 = arith.constant 0 : i32
    %dma_wait3A_20 = tpu.memref_slice %arg6[%dma_wait3A_18, %dma_wait3A_19] : memref<250000x128xf32, #tpu.memory_space<hbm>> -> memref<250000x128xf32, #tpu.memory_space<hbm>>
    tpu.wait_indirect_dma semaphore(%arg20 : memref<!tpu.dma_semaphore, #tpu.memory_space<semaphore_mem>>) src(%dma_wait3A_20 : memref<250000x128xf32, #tpu.memory_space<hbm>>) dst(%arg16 : memref<256x128xf32, #tpu.memory_space<vmem>>)
    %dma_wait3A_21 = arith.constant 0 : i32
    %dma_wait3A_22 = arith.constant 0 : i32
    %dma_wait3A_23 = tpu.memref_slice %arg6[%dma_wait3A_21, %dma_wait3A_22] : memref<250000x128xf32, #tpu.memory_space<hbm>> -> memref<250000x128xf32, #tpu.memory_space<hbm>>
    tpu.wait_indirect_dma semaphore(%arg20 : memref<!tpu.dma_semaphore, #tpu.memory_space<semaphore_mem>>) src(%dma_wait3A_23 : memref<250000x128xf32, #tpu.memory_space<hbm>>) dst(%arg17 : memref<256x128xf32, #tpu.memory_space<vmem>>)
    %scan3A_24 = arith.constant 0 : i32
    %scan3A_25 = arith.constant 0 : i32
    %scan3A_26 = arith.constant 16 : i32
    %scan3A_27 = arith.addi %scan3A_25, %scan3A_26 : i32
    %scan3A_28 = arith.constant 1 : i32
    scf.for %scan3A_60 = %scan3A_25 to %scan3A_27 step %scan3A_28  : i32 {
      %mul3A_61 = arith.constant 16 : i32
      %mul3A_62 = arith.muli %scan3A_60, %mul3A_61 : i32
      %iota3A = tpu.iota {dimensions = array<i32: 0>} : vector<16xi32>
      %add3A_63 = vector.broadcast %mul3A_62 : i32 to vector<16xi32>
      %add3A_64 = arith.addi %add3A_63, %iota3A : vector<16xi32>
      %add3A_65 = arith.constant 0 : i32
      %add3A_66 = arith.addi %add3A_65, %mul3A_62 : i32
      %get3A = arith.index_cast %add3A_66 : i32 to index
      %get3A_67 = tpu.vector_load %arg9[%get3A] {strides = array<i32>} : memref<512xi32, #tpu.memory_space<vmem>>, vector<16xi32>,
      %and3A = arith.constant 3 : i32
      %and3A_68 = vector.broadcast %and3A : i32 to vector<16xi32>
      %and3A_69 = arith.andi %get3A_67, %and3A_68 : vector<16xi32>
      %mul3A_70 = arith.constant 32 : i32
      %mul3A_71 = vector.broadcast %mul3A_70 : i32 to vector<16xi32>
      %mul3A_72 = arith.muli %and3A_69, %mul3A_71 : vector<16xi32>
      %add3A_73 = arith.constant 0 : i32
      %add3A_74 = arith.addi %add3A_73, %mul3A_62 : i32
      %get3A_75 = arith.index_cast %add3A_74 : i32 to index
      %get3A_76 = tpu.vector_load %arg10[%get3A_75] {strides = array<i32>} : memref<512xi32, #tpu.memory_space<vmem>>, vector<16xi32>,
      %and3A_77 = arith.constant 3 : i32
      %and3A_78 = vector.broadcast %and3A_77 : i32 to vector<16xi32>
      %and3A_79 = arith.andi %get3A_76, %and3A_78 : vector<16xi32>
      %mul3A_80 = arith.constant 32 : i32
      %mul3A_81 = vector.broadcast %mul3A_80 : i32 to vector<16xi32>
      %mul3A_82 = arith.muli %and3A_79, %mul3A_81 : vector<16xi32>
      %add3A_83 = arith.constant 0 : i32
      %add3A_84 = arith.addi %add3A_83, %mul3A_62 : i32
      %get3A_85 = arith.index_cast %add3A_84 : i32 to index
      %get3A_86 = tpu.vector_load %arg11[%get3A_85] {strides = array<i32>} : memref<512xi32, #tpu.memory_space<vmem>>, vector<16xi32>,
      %and3A_87 = arith.constant 3 : i32
      %and3A_88 = vector.broadcast %and3A_87 : i32 to vector<16xi32>
      %and3A_89 = arith.andi %get3A_86, %and3A_88 : vector<16xi32>
      %mul3A_90 = arith.constant 32 : i32
      %mul3A_91 = vector.broadcast %mul3A_90 : i32 to vector<16xi32>
      %mul3A_92 = arith.muli %and3A_89, %mul3A_91 : vector<16xi32>
      %broadcast_in_dim3A = arith.constant 0.000000e+00 : f32
      %broadcast_in_dim3A_93 = vector.broadcast %broadcast_in_dim3A : f32 to vector<16xf32>
      %broadcast_in_dim3A_94 = arith.constant 0.000000e+00 : f32
      %broadcast_in_dim3A_95 = vector.broadcast %broadcast_in_dim3A_94 : f32 to vector<16xf32>
      %add3A_96 = arith.constant 0 : i32
      %add3A_97 = vector.broadcast %add3A_96 : i32 to vector<16xi32>
      %add3A_98 = arith.addi %mul3A_72, %add3A_97 : vector<16xi32>
      %gather3A = tpu.vector_load_idx %arg15[%add3A_64, %add3A_98] : memref<256x128xf32, #tpu.memory_space<vmem>>[vector<16xi32>, vector<16xi32>], vector<16xf32>,
      %add3A_99 = arith.constant 0 : i32
      %add3A_100 = vector.broadcast %add3A_99 : i32 to vector<16xi32>
      %add3A_101 = arith.addi %mul3A_82, %add3A_100 : vector<16xi32>
      %gather3A_102 = tpu.vector_load_idx %arg16[%add3A_64, %add3A_101] : memref<256x128xf32, #tpu.memory_space<vmem>>[vector<16xi32>, vector<16xi32>], vector<16xf32>,
      %add3A_103 = arith.constant 0 : i32
      %add3A_104 = vector.broadcast %add3A_103 : i32 to vector<16xi32>
      %add3A_105 = arith.addi %mul3A_92, %add3A_104 : vector<16xi32>
      %gather3A_106 = tpu.vector_load_idx %arg17[%add3A_64, %add3A_105] : memref<256x128xf32, #tpu.memory_space<vmem>>[vector<16xi32>, vector<16xi32>], vector<16xf32>,
      %mul3A_107 = arith.mulf %gather3A, %gather3A_102 : vector<16xf32>
      %add3A_108 = arith.addf %broadcast_in_dim3A_93, %mul3A_107 : vector<16xf32>
      %mul3A_109 = arith.mulf %gather3A, %gather3A_106 : vector<16xf32>
      %add3A_110 = arith.addf %broadcast_in_dim3A_95, %mul3A_109 : vector<16xf32>
      %add3A_111 = arith.constant 1 : i32
      %add3A_112 = vector.broadcast %add3A_111 : i32 to vector<16xi32>
      %add3A_113 = arith.addi %mul3A_72, %add3A_112 : vector<16xi32>
      %gather3A_114 = tpu.vector_load_idx %arg15[%add3A_64, %add3A_113] : memref<256x128xf32, #tpu.memory_space<vmem>>[vector<16xi32>, vector<16xi32>], vector<16xf32>,
      %add3A_115 = arith.constant 1 : i32
      %add3A_116 = vector.broadcast %add3A_115 : i32 to vector<16xi32>
      %add3A_117 = arith.addi %mul3A_82, %add3A_116 : vector<16xi32>
      %gather3A_118 = tpu.vector_load_idx %arg16[%add3A_64, %add3A_117] : memref<256x128xf32, #tpu.memory_space<vmem>>[vector<16xi32>, vector<16xi32>], vector<16xf32>,
      %add3A_119 = arith.constant 1 : i32
      %add3A_120 = vector.broadcast %add3A_119 : i32 to vector<16xi32>
      %add3A_121 = arith.addi %mul3A_92, %add3A_120 : vector<16xi32>
      %gather3A_122 = tpu.vector_load_idx %arg17[%add3A_64, %add3A_121] : memref<256x128xf32, #tpu.memory_space<vmem>>[vector<16xi32>, vector<16xi32>], vector<16xf32>,
      %mul3A_123 = arith.mulf %gather3A_114, %gather3A_118 : vector<16xf32>
      %add3A_124 = arith.addf %add3A_108, %mul3A_123 : vector<16xf32>
      %mul3A_125 = arith.mulf %gather3A_114, %gather3A_122 : vector<16xf32>
      %add3A_126 = arith.addf %add3A_110, %mul3A_125 : vector<16xf32>
      %add3A_127 = arith.constant 2 : i32
      %add3A_128 = vector.broadcast %add3A_127 : i32 to vector<16xi32>
      %add3A_129 = arith.addi %mul3A_72, %add3A_128 : vector<16xi32>
      %gather3A_130 = tpu.vector_load_idx %arg15[%add3A_64, %add3A_129] : memref<256x128xf32, #tpu.memory_space<vmem>>[vector<16xi32>, vector<16xi32>], vector<16xf32>,
      %add3A_131 = arith.constant 2 : i32
      %add3A_132 = vector.broadcast %add3A_131 : i32 to vector<16xi32>
      %add3A_133 = arith.addi %mul3A_82, %add3A_132 : vector<16xi32>
      %gather3A_134 = tpu.vector_load_idx %arg16[%add3A_64, %add3A_133] : memref<256x128xf32, #tpu.memory_space<vmem>>[vector<16xi32>, vector<16xi32>], vector<16xf32>,
      %add3A_135 = arith.constant 2 : i32
      %add3A_136 = vector.broadcast %add3A_135 : i32 to vector<16xi32>
      %add3A_137 = arith.addi %mul3A_92, %add3A_136 : vector<16xi32>
      %gather3A_138 = tpu.vector_load_idx %arg17[%add3A_64, %add3A_137] : memref<256x128xf32, #tpu.memory_space<vmem>>[vector<16xi32>, vector<16xi32>], vector<16xf32>,
      %mul3A_139 = arith.mulf %gather3A_130, %gather3A_134 : vector<16xf32>
      %add3A_140 = arith.addf %add3A_124, %mul3A_139 : vector<16xf32>
      %mul3A_141 = arith.mulf %gather3A_130, %gather3A_138 : vector<16xf32>
      %add3A_142 = arith.addf %add3A_126, %mul3A_141 : vector<16xf32>
      %add3A_143 = arith.constant 3 : i32
      %add3A_144 = vector.broadcast %add3A_143 : i32 to vector<16xi32>
      %add3A_145 = arith.addi %mul3A_72, %add3A_144 : vector<16xi32>
      %gather3A_146 = tpu.vector_load_idx %arg15[%add3A_64, %add3A_145] : memref<256x128xf32, #tpu.memory_space<vmem>>[vector<16xi32>, vector<16xi32>], vector<16xf32>,
      %add3A_147 = arith.constant 3 : i32
      %add3A_148 = vector.broadcast %add3A_147 : i32 to vector<16xi32>
      %add3A_149 = arith.addi %mul3A_82, %add3A_148 : vector<16xi32>
      %gather3A_150 = tpu.vector_load_idx %arg16[%add3A_64, %add3A_149] : memref<256x128xf32, #tpu.memory_space<vmem>>[vector<16xi32>, vector<16xi32>], vector<16xf32>,
      %add3A_151 = arith.constant 3 : i32
      %add3A_152 = vector.broadcast %add3A_151 : i32 to vector<16xi32>
      %add3A_153 = arith.addi %mul3A_92, %add3A_152 : vector<16xi32>
      %gather3A_154 = tpu.vector_load_idx %arg17[%add3A_64, %add3A_153] : memref<256x128xf32, #tpu.memory_space<vmem>>[vector<16xi32>, vector<16xi32>], vector<16xf32>,
      %mul3A_155 = arith.mulf %gather3A_146, %gather3A_150 : vector<16xf32>
      %add3A_156 = arith.addf %add3A_140, %mul3A_155 : vector<16xf32>
      %mul3A_157 = arith.mulf %gather3A_146, %gather3A_154 : vector<16xf32>
      %add3A_158 = arith.addf %add3A_142, %mul3A_157 : vector<16xf32>
      %add3A_159 = arith.constant 4 : i32
      %add3A_160 = vector.broadcast %add3A_159 : i32 to vector<16xi32>
      %add3A_161 = arith.addi %mul3A_72, %add3A_160 : vector<16xi32>
      %gather3A_162 = tpu.vector_load_idx %arg15[%add3A_64, %add3A_161] : memref<256x128xf32, #tpu.memory_space<vmem>>[vector<16xi32>, vector<16xi32>], vector<16xf32>,
      %add3A_163 = arith.constant 4 : i32
      %add3A_164 = vector.broadcast %add3A_163 : i32 to vector<16xi32>
      %add3A_165 = arith.addi %mul3A_82, %add3A_164 : vector<16xi32>
      %gather3A_166 = tpu.vector_load_idx %arg16[%add3A_64, %add3A_165] : memref<256x128xf32, #tpu.memory_space<vmem>>[vector<16xi32>, vector<16xi32>], vector<16xf32>,
      %add3A_167 = arith.constant 4 : i32
      %add3A_168 = vector.broadcast %add3A_167 : i32 to vector<16xi32>
      %add3A_169 = arith.addi %mul3A_92, %add3A_168 : vector<16xi32>
      %gather3A_170 = tpu.vector_load_idx %arg17[%add3A_64, %add3A_169] : memref<256x128xf32, #tpu.memory_space<vmem>>[vector<16xi32>, vector<16xi32>], vector<16xf32>,
      %mul3A_171 = arith.mulf %gather3A_162, %gather3A_166 : vector<16xf32>
      %add3A_172 = arith.addf %add3A_156, %mul3A_171 : vector<16xf32>
      %mul3A_173 = arith.mulf %gather3A_162, %gather3A_170 : vector<16xf32>
      %add3A_174 = arith.addf %add3A_158, %mul3A_173 : vector<16xf32>
      %add3A_175 = arith.constant 5 : i32
      %add3A_176 = vector.broadcast %add3A_175 : i32 to vector<16xi32>
      %add3A_177 = arith.addi %mul3A_72, %add3A_176 : vector<16xi32>
      %gather3A_178 = tpu.vector_load_idx %arg15[%add3A_64, %add3A_177] : memref<256x128xf32, #tpu.memory_space<vmem>>[vector<16xi32>, vector<16xi32>], vector<16xf32>,
      %add3A_179 = arith.constant 5 : i32
      %add3A_180 = vector.broadcast %add3A_179 : i32 to vector<16xi32>
      %add3A_181 = arith.addi %mul3A_82, %add3A_180 : vector<16xi32>
      %gather3A_182 = tpu.vector_load_idx %arg16[%add3A_64, %add3A_181] : memref<256x128xf32, #tpu.memory_space<vmem>>[vector<16xi32>, vector<16xi32>], vector<16xf32>,
      %add3A_183 = arith.constant 5 : i32
      %add3A_184 = vector.broadcast %add3A_183 : i32 to vector<16xi32>
      %add3A_185 = arith.addi %mul3A_92, %add3A_184 : vector<16xi32>
      %gather3A_186 = tpu.vector_load_idx %arg17[%add3A_64, %add3A_185] : memref<256x128xf32, #tpu.memory_space<vmem>>[vector<16xi32>, vector<16xi32>], vector<16xf32>,
      %mul3A_187 = arith.mulf %gather3A_178, %gather3A_182 : vector<16xf32>
      %add3A_188 = arith.addf %add3A_172, %mul3A_187 : vector<16xf32>
      %mul3A_189 = arith.mulf %gather3A_178, %gather3A_186 : vector<16xf32>
      %add3A_190 = arith.addf %add3A_174, %mul3A_189 : vector<16xf32>
      %add3A_191 = arith.constant 6 : i32
      %add3A_192 = vector.broadcast %add3A_191 : i32 to vector<16xi32>
      %add3A_193 = arith.addi %mul3A_72, %add3A_192 : vector<16xi32>
      %gather3A_194 = tpu.vector_load_idx %arg15[%add3A_64, %add3A_193] : memref<256x128xf32, #tpu.memory_space<vmem>>[vector<16xi32>, vector<16xi32>], vector<16xf32>,
      %add3A_195 = arith.constant 6 : i32
      %add3A_196 = vector.broadcast %add3A_195 : i32 to vector<16xi32>
      %add3A_197 = arith.addi %mul3A_82, %add3A_196 : vector<16xi32>
      %gather3A_198 = tpu.vector_load_idx %arg16[%add3A_64, %add3A_197] : memref<256x128xf32, #tpu.memory_space<vmem>>[vector<16xi32>, vector<16xi32>], vector<16xf32>,
      %add3A_199 = arith.constant 6 : i32
      %add3A_200 = vector.broadcast %add3A_199 : i32 to vector<16xi32>
      %add3A_201 = arith.addi %mul3A_92, %add3A_200 : vector<16xi32>
      %gather3A_202 = tpu.vector_load_idx %arg17[%add3A_64, %add3A_201] : memref<256x128xf32, #tpu.memory_space<vmem>>[vector<16xi32>, vector<16xi32>], vector<16xf32>,
      %mul3A_203 = arith.mulf %gather3A_194, %gather3A_198 : vector<16xf32>
      %add3A_204 = arith.addf %add3A_188, %mul3A_203 : vector<16xf32>
      %mul3A_205 = arith.mulf %gather3A_194, %gather3A_202 : vector<16xf32>
      %add3A_206 = arith.addf %add3A_190, %mul3A_205 : vector<16xf32>
      %add3A_207 = arith.constant 7 : i32
      %add3A_208 = vector.broadcast %add3A_207 : i32 to vector<16xi32>
      %add3A_209 = arith.addi %mul3A_72, %add3A_208 : vector<16xi32>
      %gather3A_210 = tpu.vector_load_idx %arg15[%add3A_64, %add3A_209] : memref<256x128xf32, #tpu.memory_space<vmem>>[vector<16xi32>, vector<16xi32>], vector<16xf32>,
      %add3A_211 = arith.constant 7 : i32
      %add3A_212 = vector.broadcast %add3A_211 : i32 to vector<16xi32>
      %add3A_213 = arith.addi %mul3A_82, %add3A_212 : vector<16xi32>
      %gather3A_214 = tpu.vector_load_idx %arg16[%add3A_64, %add3A_213] : memref<256x128xf32, #tpu.memory_space<vmem>>[vector<16xi32>, vector<16xi32>], vector<16xf32>,
      %add3A_215 = arith.constant 7 : i32
      %add3A_216 = vector.broadcast %add3A_215 : i32 to vector<16xi32>
      %add3A_217 = arith.addi %mul3A_92, %add3A_216 : vector<16xi32>
      %gather3A_218 = tpu.vector_load_idx %arg17[%add3A_64, %add3A_217] : memref<256x128xf32, #tpu.memory_space<vmem>>[vector<16xi32>, vector<16xi32>], vector<16xf32>,
      %mul3A_219 = arith.mulf %gather3A_210, %gather3A_214 : vector<16xf32>
      %add3A_220 = arith.addf %add3A_204, %mul3A_219 : vector<16xf32>
      %mul3A_221 = arith.mulf %gather3A_210, %gather3A_218 : vector<16xf32>
      %add3A_222 = arith.addf %add3A_206, %mul3A_221 : vector<16xf32>
      %add3A_223 = arith.constant 8 : i32
      %add3A_224 = vector.broadcast %add3A_223 : i32 to vector<16xi32>
      %add3A_225 = arith.addi %mul3A_72, %add3A_224 : vector<16xi32>
      %gather3A_226 = tpu.vector_load_idx %arg15[%add3A_64, %add3A_225] : memref<256x128xf32, #tpu.memory_space<vmem>>[vector<16xi32>, vector<16xi32>], vector<16xf32>,
      %add3A_227 = arith.constant 8 : i32
      %add3A_228 = vector.broadcast %add3A_227 : i32 to vector<16xi32>
      %add3A_229 = arith.addi %mul3A_82, %add3A_228 : vector<16xi32>
      %gather3A_230 = tpu.vector_load_idx %arg16[%add3A_64, %add3A_229] : memref<256x128xf32, #tpu.memory_space<vmem>>[vector<16xi32>, vector<16xi32>], vector<16xf32>,
      %add3A_231 = arith.constant 8 : i32
      %add3A_232 = vector.broadcast %add3A_231 : i32 to vector<16xi32>
      %add3A_233 = arith.addi %mul3A_92, %add3A_232 : vector<16xi32>
      %gather3A_234 = tpu.vector_load_idx %arg17[%add3A_64, %add3A_233] : memref<256x128xf32, #tpu.memory_space<vmem>>[vector<16xi32>, vector<16xi32>], vector<16xf32>,
      %mul3A_235 = arith.mulf %gather3A_226, %gather3A_230 : vector<16xf32>
      %add3A_236 = arith.addf %add3A_220, %mul3A_235 : vector<16xf32>
      %mul3A_237 = arith.mulf %gather3A_226, %gather3A_234 : vector<16xf32>
      %add3A_238 = arith.addf %add3A_222, %mul3A_237 : vector<16xf32>
      %add3A_239 = arith.constant 9 : i32
      %add3A_240 = vector.broadcast %add3A_239 : i32 to vector<16xi32>
      %add3A_241 = arith.addi %mul3A_72, %add3A_240 : vector<16xi32>
      %gather3A_242 = tpu.vector_load_idx %arg15[%add3A_64, %add3A_241] : memref<256x128xf32, #tpu.memory_space<vmem>>[vector<16xi32>, vector<16xi32>], vector<16xf32>,
      %add3A_243 = arith.constant 9 : i32
      %add3A_244 = vector.broadcast %add3A_243 : i32 to vector<16xi32>
      %add3A_245 = arith.addi %mul3A_82, %add3A_244 : vector<16xi32>
      %gather3A_246 = tpu.vector_load_idx %arg16[%add3A_64, %add3A_245] : memref<256x128xf32, #tpu.memory_space<vmem>>[vector<16xi32>, vector<16xi32>], vector<16xf32>,
      %add3A_247 = arith.constant 9 : i32
      %add3A_248 = vector.broadcast %add3A_247 : i32 to vector<16xi32>
      %add3A_249 = arith.addi %mul3A_92, %add3A_248 : vector<16xi32>
      %gather3A_250 = tpu.vector_load_idx %arg17[%add3A_64, %add3A_249] : memref<256x128xf32, #tpu.memory_space<vmem>>[vector<16xi32>, vector<16xi32>], vector<16xf32>,
      %mul3A_251 = arith.mulf %gather3A_242, %gather3A_246 : vector<16xf32>
      %add3A_252 = arith.addf %add3A_236, %mul3A_251 : vector<16xf32>
      %mul3A_253 = arith.mulf %gather3A_242, %gather3A_250 : vector<16xf32>
      %add3A_254 = arith.addf %add3A_238, %mul3A_253 : vector<16xf32>
      %add3A_255 = arith.constant 10 : i32
      %add3A_256 = vector.broadcast %add3A_255 : i32 to vector<16xi32>
      %add3A_257 = arith.addi %mul3A_72, %add3A_256 : vector<16xi32>
      %gather3A_258 = tpu.vector_load_idx %arg15[%add3A_64, %add3A_257] : memref<256x128xf32, #tpu.memory_space<vmem>>[vector<16xi32>, vector<16xi32>], vector<16xf32>,
      %add3A_259 = arith.constant 10 : i32
      %add3A_260 = vector.broadcast %add3A_259 : i32 to vector<16xi32>
      %add3A_261 = arith.addi %mul3A_82, %add3A_260 : vector<16xi32>
      %gather3A_262 = tpu.vector_load_idx %arg16[%add3A_64, %add3A_261] : memref<256x128xf32, #tpu.memory_space<vmem>>[vector<16xi32>, vector<16xi32>], vector<16xf32>,
      %add3A_263 = arith.constant 10 : i32
      %add3A_264 = vector.broadcast %add3A_263 : i32 to vector<16xi32>
      %add3A_265 = arith.addi %mul3A_92, %add3A_264 : vector<16xi32>
      %gather3A_266 = tpu.vector_load_idx %arg17[%add3A_64, %add3A_265] : memref<256x128xf32, #tpu.memory_space<vmem>>[vector<16xi32>, vector<16xi32>], vector<16xf32>,
      %mul3A_267 = arith.mulf %gather3A_258, %gather3A_262 : vector<16xf32>
      %add3A_268 = arith.addf %add3A_252, %mul3A_267 : vector<16xf32>
      %mul3A_269 = arith.mulf %gather3A_258, %gather3A_266 : vector<16xf32>
      %add3A_270 = arith.addf %add3A_254, %mul3A_269 : vector<16xf32>
      %add3A_271 = arith.constant 11 : i32
      %add3A_272 = vector.broadcast %add3A_271 : i32 to vector<16xi32>
      %add3A_273 = arith.addi %mul3A_72, %add3A_272 : vector<16xi32>
      %gather3A_274 = tpu.vector_load_idx %arg15[%add3A_64, %add3A_273] : memref<256x128xf32, #tpu.memory_space<vmem>>[vector<16xi32>, vector<16xi32>], vector<16xf32>,
      %add3A_275 = arith.constant 11 : i32
      %add3A_276 = vector.broadcast %add3A_275 : i32 to vector<16xi32>
      %add3A_277 = arith.addi %mul3A_82, %add3A_276 : vector<16xi32>
      %gather3A_278 = tpu.vector_load_idx %arg16[%add3A_64, %add3A_277] : memref<256x128xf32, #tpu.memory_space<vmem>>[vector<16xi32>, vector<16xi32>], vector<16xf32>,
      %add3A_279 = arith.constant 11 : i32
      %add3A_280 = vector.broadcast %add3A_279 : i32 to vector<16xi32>
      %add3A_281 = arith.addi %mul3A_92, %add3A_280 : vector<16xi32>
      %gather3A_282 = tpu.vector_load_idx %arg17[%add3A_64, %add3A_281] : memref<256x128xf32, #tpu.memory_space<vmem>>[vector<16xi32>, vector<16xi32>], vector<16xf32>,
      %mul3A_283 = arith.mulf %gather3A_274, %gather3A_278 : vector<16xf32>
      %add3A_284 = arith.addf %add3A_268, %mul3A_283 : vector<16xf32>
      %mul3A_285 = arith.mulf %gather3A_274, %gather3A_282 : vector<16xf32>
      %add3A_286 = arith.addf %add3A_270, %mul3A_285 : vector<16xf32>
      %add3A_287 = arith.constant 12 : i32
      %add3A_288 = vector.broadcast %add3A_287 : i32 to vector<16xi32>
      %add3A_289 = arith.addi %mul3A_72, %add3A_288 : vector<16xi32>
      %gather3A_290 = tpu.vector_load_idx %arg15[%add3A_64, %add3A_289] : memref<256x128xf32, #tpu.memory_space<vmem>>[vector<16xi32>, vector<16xi32>], vector<16xf32>,
      %add3A_291 = arith.constant 12 : i32
      %add3A_292 = vector.broadcast %add3A_291 : i32 to vector<16xi32>
      %add3A_293 = arith.addi %mul3A_82, %add3A_292 : vector<16xi32>
      %gather3A_294 = tpu.vector_load_idx %arg16[%add3A_64, %add3A_293] : memref<256x128xf32, #tpu.memory_space<vmem>>[vector<16xi32>, vector<16xi32>], vector<16xf32>,
      %add3A_295 = arith.constant 12 : i32
      %add3A_296 = vector.broadcast %add3A_295 : i32 to vector<16xi32>
      %add3A_297 = arith.addi %mul3A_92, %add3A_296 : vector<16xi32>
      %gather3A_298 = tpu.vector_load_idx %arg17[%add3A_64, %add3A_297] : memref<256x128xf32, #tpu.memory_space<vmem>>[vector<16xi32>, vector<16xi32>], vector<16xf32>,
      %mul3A_299 = arith.mulf %gather3A_290, %gather3A_294 : vector<16xf32>
      %add3A_300 = arith.addf %add3A_284, %mul3A_299 : vector<16xf32>
      %mul3A_301 = arith.mulf %gather3A_290, %gather3A_298 : vector<16xf32>
      %add3A_302 = arith.addf %add3A_286, %mul3A_301 : vector<16xf32>
      %add3A_303 = arith.constant 13 : i32
      %add3A_304 = vector.broadcast %add3A_303 : i32 to vector<16xi32>
      %add3A_305 = arith.addi %mul3A_72, %add3A_304 : vector<16xi32>
      %gather3A_306 = tpu.vector_load_idx %arg15[%add3A_64, %add3A_305] : memref<256x128xf32, #tpu.memory_space<vmem>>[vector<16xi32>, vector<16xi32>], vector<16xf32>,
      %add3A_307 = arith.constant 13 : i32
      %add3A_308 = vector.broadcast %add3A_307 : i32 to vector<16xi32>
      %add3A_309 = arith.addi %mul3A_82, %add3A_308 : vector<16xi32>
      %gather3A_310 = tpu.vector_load_idx %arg16[%add3A_64, %add3A_309] : memref<256x128xf32, #tpu.memory_space<vmem>>[vector<16xi32>, vector<16xi32>], vector<16xf32>,
      %add3A_311 = arith.constant 13 : i32
      %add3A_312 = vector.broadcast %add3A_311 : i32 to vector<16xi32>
      %add3A_313 = arith.addi %mul3A_92, %add3A_312 : vector<16xi32>
      %gather3A_314 = tpu.vector_load_idx %arg17[%add3A_64, %add3A_313] : memref<256x128xf32, #tpu.memory_space<vmem>>[vector<16xi32>, vector<16xi32>], vector<16xf32>,
      %mul3A_315 = arith.mulf %gather3A_306, %gather3A_310 : vector<16xf32>
      %add3A_316 = arith.addf %add3A_300, %mul3A_315 : vector<16xf32>
      %mul3A_317 = arith.mulf %gather3A_306, %gather3A_314 : vector<16xf32>
      %add3A_318 = arith.addf %add3A_302, %mul3A_317 : vector<16xf32>
      %add3A_319 = arith.constant 14 : i32
      %add3A_320 = vector.broadcast %add3A_319 : i32 to vector<16xi32>
      %add3A_321 = arith.addi %mul3A_72, %add3A_320 : vector<16xi32>
      %gather3A_322 = tpu.vector_load_idx %arg15[%add3A_64, %add3A_321] : memref<256x128xf32, #tpu.memory_space<vmem>>[vector<16xi32>, vector<16xi32>], vector<16xf32>,
      %add3A_323 = arith.constant 14 : i32
      %add3A_324 = vector.broadcast %add3A_323 : i32 to vector<16xi32>
      %add3A_325 = arith.addi %mul3A_82, %add3A_324 : vector<16xi32>
      %gather3A_326 = tpu.vector_load_idx %arg16[%add3A_64, %add3A_325] : memref<256x128xf32, #tpu.memory_space<vmem>>[vector<16xi32>, vector<16xi32>], vector<16xf32>,
      %add3A_327 = arith.constant 14 : i32
      %add3A_328 = vector.broadcast %add3A_327 : i32 to vector<16xi32>
      %add3A_329 = arith.addi %mul3A_92, %add3A_328 : vector<16xi32>
      %gather3A_330 = tpu.vector_load_idx %arg17[%add3A_64, %add3A_329] : memref<256x128xf32, #tpu.memory_space<vmem>>[vector<16xi32>, vector<16xi32>], vector<16xf32>,
      %mul3A_331 = arith.mulf %gather3A_322, %gather3A_326 : vector<16xf32>
      %add3A_332 = arith.addf %add3A_316, %mul3A_331 : vector<16xf32>
      %mul3A_333 = arith.mulf %gather3A_322, %gather3A_330 : vector<16xf32>
      %add3A_334 = arith.addf %add3A_318, %mul3A_333 : vector<16xf32>
      %add3A_335 = arith.constant 15 : i32
      %add3A_336 = vector.broadcast %add3A_335 : i32 to vector<16xi32>
      %add3A_337 = arith.addi %mul3A_72, %add3A_336 : vector<16xi32>
      %gather3A_338 = tpu.vector_load_idx %arg15[%add3A_64, %add3A_337] : memref<256x128xf32, #tpu.memory_space<vmem>>[vector<16xi32>, vector<16xi32>], vector<16xf32>,
      %add3A_339 = arith.constant 15 : i32
      %add3A_340 = vector.broadcast %add3A_339 : i32 to vector<16xi32>
      %add3A_341 = arith.addi %mul3A_82, %add3A_340 : vector<16xi32>
      %gather3A_342 = tpu.vector_load_idx %arg16[%add3A_64, %add3A_341] : memref<256x128xf32, #tpu.memory_space<vmem>>[vector<16xi32>, vector<16xi32>], vector<16xf32>,
      %add3A_343 = arith.constant 15 : i32
      %add3A_344 = vector.broadcast %add3A_343 : i32 to vector<16xi32>
      %add3A_345 = arith.addi %mul3A_92, %add3A_344 : vector<16xi32>
      %gather3A_346 = tpu.vector_load_idx %arg17[%add3A_64, %add3A_345] : memref<256x128xf32, #tpu.memory_space<vmem>>[vector<16xi32>, vector<16xi32>], vector<16xf32>,
      %mul3A_347 = arith.mulf %gather3A_338, %gather3A_342 : vector<16xf32>
      %add3A_348 = arith.addf %add3A_332, %mul3A_347 : vector<16xf32>
      %mul3A_349 = arith.mulf %gather3A_338, %gather3A_346 : vector<16xf32>
      %add3A_350 = arith.addf %add3A_334, %mul3A_349 : vector<16xf32>
      %add3A_351 = arith.constant 16 : i32
      %add3A_352 = vector.broadcast %add3A_351 : i32 to vector<16xi32>
      %add3A_353 = arith.addi %mul3A_72, %add3A_352 : vector<16xi32>
      %gather3A_354 = tpu.vector_load_idx %arg15[%add3A_64, %add3A_353] : memref<256x128xf32, #tpu.memory_space<vmem>>[vector<16xi32>, vector<16xi32>], vector<16xf32>,
      %add3A_355 = arith.constant 16 : i32
      %add3A_356 = vector.broadcast %add3A_355 : i32 to vector<16xi32>
      %add3A_357 = arith.addi %mul3A_82, %add3A_356 : vector<16xi32>
      %gather3A_358 = tpu.vector_load_idx %arg16[%add3A_64, %add3A_357] : memref<256x128xf32, #tpu.memory_space<vmem>>[vector<16xi32>, vector<16xi32>], vector<16xf32>,
      %add3A_359 = arith.constant 16 : i32
      %add3A_360 = vector.broadcast %add3A_359 : i32 to vector<16xi32>
      %add3A_361 = arith.addi %mul3A_92, %add3A_360 : vector<16xi32>
      %gather3A_362 = tpu.vector_load_idx %arg17[%add3A_64, %add3A_361] : memref<256x128xf32, #tpu.memory_space<vmem>>[vector<16xi32>, vector<16xi32>], vector<16xf32>,
      %mul3A_363 = arith.mulf %gather3A_354, %gather3A_358 : vector<16xf32>
      %add3A_364 = arith.addf %add3A_348, %mul3A_363 : vector<16xf32>
      %mul3A_365 = arith.mulf %gather3A_354, %gather3A_362 : vector<16xf32>
      %add3A_366 = arith.addf %add3A_350, %mul3A_365 : vector<16xf32>
      %add3A_367 = arith.constant 17 : i32
      %add3A_368 = vector.broadcast %add3A_367 : i32 to vector<16xi32>
      %add3A_369 = arith.addi %mul3A_72, %add3A_368 : vector<16xi32>
      %gather3A_370 = tpu.vector_load_idx %arg15[%add3A_64, %add3A_369] : memref<256x128xf32, #tpu.memory_space<vmem>>[vector<16xi32>, vector<16xi32>], vector<16xf32>,
      %add3A_371 = arith.constant 17 : i32
      %add3A_372 = vector.broadcast %add3A_371 : i32 to vector<16xi32>
      %add3A_373 = arith.addi %mul3A_82, %add3A_372 : vector<16xi32>
      %gather3A_374 = tpu.vector_load_idx %arg16[%add3A_64, %add3A_373] : memref<256x128xf32, #tpu.memory_space<vmem>>[vector<16xi32>, vector<16xi32>], vector<16xf32>,
      %add3A_375 = arith.constant 17 : i32
      %add3A_376 = vector.broadcast %add3A_375 : i32 to vector<16xi32>
      %add3A_377 = arith.addi %mul3A_92, %add3A_376 : vector<16xi32>
      %gather3A_378 = tpu.vector_load_idx %arg17[%add3A_64, %add3A_377] : memref<256x128xf32, #tpu.memory_space<vmem>>[vector<16xi32>, vector<16xi32>], vector<16xf32>,
      %mul3A_379 = arith.mulf %gather3A_370, %gather3A_374 : vector<16xf32>
      %add3A_380 = arith.addf %add3A_364, %mul3A_379 : vector<16xf32>
      %mul3A_381 = arith.mulf %gather3A_370, %gather3A_378 : vector<16xf32>
      %add3A_382 = arith.addf %add3A_366, %mul3A_381 : vector<16xf32>
      %add3A_383 = arith.constant 18 : i32
      %add3A_384 = vector.broadcast %add3A_383 : i32 to vector<16xi32>
      %add3A_385 = arith.addi %mul3A_72, %add3A_384 : vector<16xi32>
      %gather3A_386 = tpu.vector_load_idx %arg15[%add3A_64, %add3A_385] : memref<256x128xf32, #tpu.memory_space<vmem>>[vector<16xi32>, vector<16xi32>], vector<16xf32>,
      %add3A_387 = arith.constant 18 : i32
      %add3A_388 = vector.broadcast %add3A_387 : i32 to vector<16xi32>
      %add3A_389 = arith.addi %mul3A_82, %add3A_388 : vector<16xi32>
      %gather3A_390 = tpu.vector_load_idx %arg16[%add3A_64, %add3A_389] : memref<256x128xf32, #tpu.memory_space<vmem>>[vector<16xi32>, vector<16xi32>], vector<16xf32>,
      %add3A_391 = arith.constant 18 : i32
      %add3A_392 = vector.broadcast %add3A_391 : i32 to vector<16xi32>
      %add3A_393 = arith.addi %mul3A_92, %add3A_392 : vector<16xi32>
      %gather3A_394 = tpu.vector_load_idx %arg17[%add3A_64, %add3A_393] : memref<256x128xf32, #tpu.memory_space<vmem>>[vector<16xi32>, vector<16xi32>], vector<16xf32>,
      %mul3A_395 = arith.mulf %gather3A_386, %gather3A_390 : vector<16xf32>
      %add3A_396 = arith.addf %add3A_380, %mul3A_395 : vector<16xf32>
      %mul3A_397 = arith.mulf %gather3A_386, %gather3A_394 : vector<16xf32>
      %add3A_398 = arith.addf %add3A_382, %mul3A_397 : vector<16xf32>
      %add3A_399 = arith.constant 19 : i32
      %add3A_400 = vector.broadcast %add3A_399 : i32 to vector<16xi32>
      %add3A_401 = arith.addi %mul3A_72, %add3A_400 : vector<16xi32>
      %gather3A_402 = tpu.vector_load_idx %arg15[%add3A_64, %add3A_401] : memref<256x128xf32, #tpu.memory_space<vmem>>[vector<16xi32>, vector<16xi32>], vector<16xf32>,
      %add3A_403 = arith.constant 19 : i32
      %add3A_404 = vector.broadcast %add3A_403 : i32 to vector<16xi32>
      %add3A_405 = arith.addi %mul3A_82, %add3A_404 : vector<16xi32>
      %gather3A_406 = tpu.vector_load_idx %arg16[%add3A_64, %add3A_405] : memref<256x128xf32, #tpu.memory_space<vmem>>[vector<16xi32>, vector<16xi32>], vector<16xf32>,
      %add3A_407 = arith.constant 19 : i32
      %add3A_408 = vector.broadcast %add3A_407 : i32 to vector<16xi32>
      %add3A_409 = arith.addi %mul3A_92, %add3A_408 : vector<16xi32>
      %gather3A_410 = tpu.vector_load_idx %arg17[%add3A_64, %add3A_409] : memref<256x128xf32, #tpu.memory_space<vmem>>[vector<16xi32>, vector<16xi32>], vector<16xf32>,
      %mul3A_411 = arith.mulf %gather3A_402, %gather3A_406 : vector<16xf32>
      %add3A_412 = arith.addf %add3A_396, %mul3A_411 : vector<16xf32>
      %mul3A_413 = arith.mulf %gather3A_402, %gather3A_410 : vector<16xf32>
      %add3A_414 = arith.addf %add3A_398, %mul3A_413 : vector<16xf32>
      %add3A_415 = arith.constant 20 : i32
      %add3A_416 = vector.broadcast %add3A_415 : i32 to vector<16xi32>
      %add3A_417 = arith.addi %mul3A_72, %add3A_416 : vector<16xi32>
      %gather3A_418 = tpu.vector_load_idx %arg15[%add3A_64, %add3A_417] : memref<256x128xf32, #tpu.memory_space<vmem>>[vector<16xi32>, vector<16xi32>], vector<16xf32>,
      %add3A_419 = arith.constant 20 : i32
      %add3A_420 = vector.broadcast %add3A_419 : i32 to vector<16xi32>
      %add3A_421 = arith.addi %mul3A_82, %add3A_420 : vector<16xi32>
      %gather3A_422 = tpu.vector_load_idx %arg16[%add3A_64, %add3A_421] : memref<256x128xf32, #tpu.memory_space<vmem>>[vector<16xi32>, vector<16xi32>], vector<16xf32>,
      %add3A_423 = arith.constant 20 : i32
      %add3A_424 = vector.broadcast %add3A_423 : i32 to vector<16xi32>
      %add3A_425 = arith.addi %mul3A_92, %add3A_424 : vector<16xi32>
      %gather3A_426 = tpu.vector_load_idx %arg17[%add3A_64, %add3A_425] : memref<256x128xf32, #tpu.memory_space<vmem>>[vector<16xi32>, vector<16xi32>], vector<16xf32>,
      %mul3A_427 = arith.mulf %gather3A_418, %gather3A_422 : vector<16xf32>
      %add3A_428 = arith.addf %add3A_412, %mul3A_427 : vector<16xf32>
      %mul3A_429 = arith.mulf %gather3A_418, %gather3A_426 : vector<16xf32>
      %add3A_430 = arith.addf %add3A_414, %mul3A_429 : vector<16xf32>
      %add3A_431 = arith.constant 21 : i32
      %add3A_432 = vector.broadcast %add3A_431 : i32 to vector<16xi32>
      %add3A_433 = arith.addi %mul3A_72, %add3A_432 : vector<16xi32>
      %gather3A_434 = tpu.vector_load_idx %arg15[%add3A_64, %add3A_433] : memref<256x128xf32, #tpu.memory_space<vmem>>[vector<16xi32>, vector<16xi32>], vector<16xf32>,
      %add3A_435 = arith.constant 21 : i32
      %add3A_436 = vector.broadcast %add3A_435 : i32 to vector<16xi32>
      %add3A_437 = arith.addi %mul3A_82, %add3A_436 : vector<16xi32>
      %gather3A_438 = tpu.vector_load_idx %arg16[%add3A_64, %add3A_437] : memref<256x128xf32, #tpu.memory_space<vmem>>[vector<16xi32>, vector<16xi32>], vector<16xf32>,
      %add3A_439 = arith.constant 21 : i32
      %add3A_440 = vector.broadcast %add3A_439 : i32 to vector<16xi32>
      %add3A_441 = arith.addi %mul3A_92, %add3A_440 : vector<16xi32>
      %gather3A_442 = tpu.vector_load_idx %arg17[%add3A_64, %add3A_441] : memref<256x128xf32, #tpu.memory_space<vmem>>[vector<16xi32>, vector<16xi32>], vector<16xf32>,
      %mul3A_443 = arith.mulf %gather3A_434, %gather3A_438 : vector<16xf32>
      %add3A_444 = arith.addf %add3A_428, %mul3A_443 : vector<16xf32>
      %mul3A_445 = arith.mulf %gather3A_434, %gather3A_442 : vector<16xf32>
      %add3A_446 = arith.addf %add3A_430, %mul3A_445 : vector<16xf32>
      %add3A_447 = arith.constant 22 : i32
      %add3A_448 = vector.broadcast %add3A_447 : i32 to vector<16xi32>
      %add3A_449 = arith.addi %mul3A_72, %add3A_448 : vector<16xi32>
      %gather3A_450 = tpu.vector_load_idx %arg15[%add3A_64, %add3A_449] : memref<256x128xf32, #tpu.memory_space<vmem>>[vector<16xi32>, vector<16xi32>], vector<16xf32>,
      %add3A_451 = arith.constant 22 : i32
      %add3A_452 = vector.broadcast %add3A_451 : i32 to vector<16xi32>
      %add3A_453 = arith.addi %mul3A_82, %add3A_452 : vector<16xi32>
      %gather3A_454 = tpu.vector_load_idx %arg16[%add3A_64, %add3A_453] : memref<256x128xf32, #tpu.memory_space<vmem>>[vector<16xi32>, vector<16xi32>], vector<16xf32>,
      %add3A_455 = arith.constant 22 : i32
      %add3A_456 = vector.broadcast %add3A_455 : i32 to vector<16xi32>
      %add3A_457 = arith.addi %mul3A_92, %add3A_456 : vector<16xi32>
      %gather3A_458 = tpu.vector_load_idx %arg17[%add3A_64, %add3A_457] : memref<256x128xf32, #tpu.memory_space<vmem>>[vector<16xi32>, vector<16xi32>], vector<16xf32>,
      %mul3A_459 = arith.mulf %gather3A_450, %gather3A_454 : vector<16xf32>
      %add3A_460 = arith.addf %add3A_444, %mul3A_459 : vector<16xf32>
      %mul3A_461 = arith.mulf %gather3A_450, %gather3A_458 : vector<16xf32>
      %add3A_462 = arith.addf %add3A_446, %mul3A_461 : vector<16xf32>
      %add3A_463 = arith.constant 23 : i32
      %add3A_464 = vector.broadcast %add3A_463 : i32 to vector<16xi32>
      %add3A_465 = arith.addi %mul3A_72, %add3A_464 : vector<16xi32>
      %gather3A_466 = tpu.vector_load_idx %arg15[%add3A_64, %add3A_465] : memref<256x128xf32, #tpu.memory_space<vmem>>[vector<16xi32>, vector<16xi32>], vector<16xf32>,
      %add3A_467 = arith.constant 23 : i32
      %add3A_468 = vector.broadcast %add3A_467 : i32 to vector<16xi32>
      %add3A_469 = arith.addi %mul3A_82, %add3A_468 : vector<16xi32>
      %gather3A_470 = tpu.vector_load_idx %arg16[%add3A_64, %add3A_469] : memref<256x128xf32, #tpu.memory_space<vmem>>[vector<16xi32>, vector<16xi32>], vector<16xf32>,
      %add3A_471 = arith.constant 23 : i32
      %add3A_472 = vector.broadcast %add3A_471 : i32 to vector<16xi32>
      %add3A_473 = arith.addi %mul3A_92, %add3A_472 : vector<16xi32>
      %gather3A_474 = tpu.vector_load_idx %arg17[%add3A_64, %add3A_473] : memref<256x128xf32, #tpu.memory_space<vmem>>[vector<16xi32>, vector<16xi32>], vector<16xf32>,
      %mul3A_475 = arith.mulf %gather3A_466, %gather3A_470 : vector<16xf32>
      %add3A_476 = arith.addf %add3A_460, %mul3A_475 : vector<16xf32>
      %mul3A_477 = arith.mulf %gather3A_466, %gather3A_474 : vector<16xf32>
      %add3A_478 = arith.addf %add3A_462, %mul3A_477 : vector<16xf32>
      %add3A_479 = arith.constant 24 : i32
      %add3A_480 = vector.broadcast %add3A_479 : i32 to vector<16xi32>
      %add3A_481 = arith.addi %mul3A_72, %add3A_480 : vector<16xi32>
      %gather3A_482 = tpu.vector_load_idx %arg15[%add3A_64, %add3A_481] : memref<256x128xf32, #tpu.memory_space<vmem>>[vector<16xi32>, vector<16xi32>], vector<16xf32>,
      %add3A_483 = arith.constant 24 : i32
      %add3A_484 = vector.broadcast %add3A_483 : i32 to vector<16xi32>
      %add3A_485 = arith.addi %mul3A_82, %add3A_484 : vector<16xi32>
      %gather3A_486 = tpu.vector_load_idx %arg16[%add3A_64, %add3A_485] : memref<256x128xf32, #tpu.memory_space<vmem>>[vector<16xi32>, vector<16xi32>], vector<16xf32>,
      %add3A_487 = arith.constant 24 : i32
      %add3A_488 = vector.broadcast %add3A_487 : i32 to vector<16xi32>
      %add3A_489 = arith.addi %mul3A_92, %add3A_488 : vector<16xi32>
      %gather3A_490 = tpu.vector_load_idx %arg17[%add3A_64, %add3A_489] : memref<256x128xf32, #tpu.memory_space<vmem>>[vector<16xi32>, vector<16xi32>], vector<16xf32>,
      %mul3A_491 = arith.mulf %gather3A_482, %gather3A_486 : vector<16xf32>
      %add3A_492 = arith.addf %add3A_476, %mul3A_491 : vector<16xf32>
      %mul3A_493 = arith.mulf %gather3A_482, %gather3A_490 : vector<16xf32>
      %add3A_494 = arith.addf %add3A_478, %mul3A_493 : vector<16xf32>
      %add3A_495 = arith.constant 25 : i32
      %add3A_496 = vector.broadcast %add3A_495 : i32 to vector<16xi32>
      %add3A_497 = arith.addi %mul3A_72, %add3A_496 : vector<16xi32>
      %gather3A_498 = tpu.vector_load_idx %arg15[%add3A_64, %add3A_497] : memref<256x128xf32, #tpu.memory_space<vmem>>[vector<16xi32>, vector<16xi32>], vector<16xf32>,
      %add3A_499 = arith.constant 25 : i32
      %add3A_500 = vector.broadcast %add3A_499 : i32 to vector<16xi32>
      %add3A_501 = arith.addi %mul3A_82, %add3A_500 : vector<16xi32>
      %gather3A_502 = tpu.vector_load_idx %arg16[%add3A_64, %add3A_501] : memref<256x128xf32, #tpu.memory_space<vmem>>[vector<16xi32>, vector<16xi32>], vector<16xf32>,
      %add3A_503 = arith.constant 25 : i32
      %add3A_504 = vector.broadcast %add3A_503 : i32 to vector<16xi32>
      %add3A_505 = arith.addi %mul3A_92, %add3A_504 : vector<16xi32>
      %gather3A_506 = tpu.vector_load_idx %arg17[%add3A_64, %add3A_505] : memref<256x128xf32, #tpu.memory_space<vmem>>[vector<16xi32>, vector<16xi32>], vector<16xf32>,
      %mul3A_507 = arith.mulf %gather3A_498, %gather3A_502 : vector<16xf32>
      %add3A_508 = arith.addf %add3A_492, %mul3A_507 : vector<16xf32>
      %mul3A_509 = arith.mulf %gather3A_498, %gather3A_506 : vector<16xf32>
      %add3A_510 = arith.addf %add3A_494, %mul3A_509 : vector<16xf32>
      %add3A_511 = arith.constant 26 : i32
      %add3A_512 = vector.broadcast %add3A_511 : i32 to vector<16xi32>
      %add3A_513 = arith.addi %mul3A_72, %add3A_512 : vector<16xi32>
      %gather3A_514 = tpu.vector_load_idx %arg15[%add3A_64, %add3A_513] : memref<256x128xf32, #tpu.memory_space<vmem>>[vector<16xi32>, vector<16xi32>], vector<16xf32>,
      %add3A_515 = arith.constant 26 : i32
      %add3A_516 = vector.broadcast %add3A_515 : i32 to vector<16xi32>
      %add3A_517 = arith.addi %mul3A_82, %add3A_516 : vector<16xi32>
      %gather3A_518 = tpu.vector_load_idx %arg16[%add3A_64, %add3A_517] : memref<256x128xf32, #tpu.memory_space<vmem>>[vector<16xi32>, vector<16xi32>], vector<16xf32>,
      %add3A_519 = arith.constant 26 : i32
      %add3A_520 = vector.broadcast %add3A_519 : i32 to vector<16xi32>
      %add3A_521 = arith.addi %mul3A_92, %add3A_520 : vector<16xi32>
      %gather3A_522 = tpu.vector_load_idx %arg17[%add3A_64, %add3A_521] : memref<256x128xf32, #tpu.memory_space<vmem>>[vector<16xi32>, vector<16xi32>], vector<16xf32>,
      %mul3A_523 = arith.mulf %gather3A_514, %gather3A_518 : vector<16xf32>
      %add3A_524 = arith.addf %add3A_508, %mul3A_523 : vector<16xf32>
      %mul3A_525 = arith.mulf %gather3A_514, %gather3A_522 : vector<16xf32>
      %add3A_526 = arith.addf %add3A_510, %mul3A_525 : vector<16xf32>
      %add3A_527 = arith.constant 27 : i32
      %add3A_528 = vector.broadcast %add3A_527 : i32 to vector<16xi32>
      %add3A_529 = arith.addi %mul3A_72, %add3A_528 : vector<16xi32>
      %gather3A_530 = tpu.vector_load_idx %arg15[%add3A_64, %add3A_529] : memref<256x128xf32, #tpu.memory_space<vmem>>[vector<16xi32>, vector<16xi32>], vector<16xf32>,
      %add3A_531 = arith.constant 27 : i32
      %add3A_532 = vector.broadcast %add3A_531 : i32 to vector<16xi32>
      %add3A_533 = arith.addi %mul3A_82, %add3A_532 : vector<16xi32>
      %gather3A_534 = tpu.vector_load_idx %arg16[%add3A_64, %add3A_533] : memref<256x128xf32, #tpu.memory_space<vmem>>[vector<16xi32>, vector<16xi32>], vector<16xf32>,
      %add3A_535 = arith.constant 27 : i32
      %add3A_536 = vector.broadcast %add3A_535 : i32 to vector<16xi32>
      %add3A_537 = arith.addi %mul3A_92, %add3A_536 : vector<16xi32>
      %gather3A_538 = tpu.vector_load_idx %arg17[%add3A_64, %add3A_537] : memref<256x128xf32, #tpu.memory_space<vmem>>[vector<16xi32>, vector<16xi32>], vector<16xf32>,
      %mul3A_539 = arith.mulf %gather3A_530, %gather3A_534 : vector<16xf32>
      %add3A_540 = arith.addf %add3A_524, %mul3A_539 : vector<16xf32>
      %mul3A_541 = arith.mulf %gather3A_530, %gather3A_538 : vector<16xf32>
      %add3A_542 = arith.addf %add3A_526, %mul3A_541 : vector<16xf32>
      %add3A_543 = arith.constant 28 : i32
      %add3A_544 = vector.broadcast %add3A_543 : i32 to vector<16xi32>
      %add3A_545 = arith.addi %mul3A_72, %add3A_544 : vector<16xi32>
      %gather3A_546 = tpu.vector_load_idx %arg15[%add3A_64, %add3A_545] : memref<256x128xf32, #tpu.memory_space<vmem>>[vector<16xi32>, vector<16xi32>], vector<16xf32>,
      %add3A_547 = arith.constant 28 : i32
      %add3A_548 = vector.broadcast %add3A_547 : i32 to vector<16xi32>
      %add3A_549 = arith.addi %mul3A_82, %add3A_548 : vector<16xi32>
      %gather3A_550 = tpu.vector_load_idx %arg16[%add3A_64, %add3A_549] : memref<256x128xf32, #tpu.memory_space<vmem>>[vector<16xi32>, vector<16xi32>], vector<16xf32>,
      %add3A_551 = arith.constant 28 : i32
      %add3A_552 = vector.broadcast %add3A_551 : i32 to vector<16xi32>
      %add3A_553 = arith.addi %mul3A_92, %add3A_552 : vector<16xi32>
      %gather3A_554 = tpu.vector_load_idx %arg17[%add3A_64, %add3A_553] : memref<256x128xf32, #tpu.memory_space<vmem>>[vector<16xi32>, vector<16xi32>], vector<16xf32>,
      %mul3A_555 = arith.mulf %gather3A_546, %gather3A_550 : vector<16xf32>
      %add3A_556 = arith.addf %add3A_540, %mul3A_555 : vector<16xf32>
      %mul3A_557 = arith.mulf %gather3A_546, %gather3A_554 : vector<16xf32>
      %add3A_558 = arith.addf %add3A_542, %mul3A_557 : vector<16xf32>
      %add3A_559 = arith.constant 29 : i32
      %add3A_560 = vector.broadcast %add3A_559 : i32 to vector<16xi32>
      %add3A_561 = arith.addi %mul3A_72, %add3A_560 : vector<16xi32>
      %gather3A_562 = tpu.vector_load_idx %arg15[%add3A_64, %add3A_561] : memref<256x128xf32, #tpu.memory_space<vmem>>[vector<16xi32>, vector<16xi32>], vector<16xf32>,
      %add3A_563 = arith.constant 29 : i32
      %add3A_564 = vector.broadcast %add3A_563 : i32 to vector<16xi32>
      %add3A_565 = arith.addi %mul3A_82, %add3A_564 : vector<16xi32>
      %gather3A_566 = tpu.vector_load_idx %arg16[%add3A_64, %add3A_565] : memref<256x128xf32, #tpu.memory_space<vmem>>[vector<16xi32>, vector<16xi32>], vector<16xf32>,
      %add3A_567 = arith.constant 29 : i32
      %add3A_568 = vector.broadcast %add3A_567 : i32 to vector<16xi32>
      %add3A_569 = arith.addi %mul3A_92, %add3A_568 : vector<16xi32>
      %gather3A_570 = tpu.vector_load_idx %arg17[%add3A_64, %add3A_569] : memref<256x128xf32, #tpu.memory_space<vmem>>[vector<16xi32>, vector<16xi32>], vector<16xf32>,
      %mul3A_571 = arith.mulf %gather3A_562, %gather3A_566 : vector<16xf32>
      %add3A_572 = arith.addf %add3A_556, %mul3A_571 : vector<16xf32>
      %mul3A_573 = arith.mulf %gather3A_562, %gather3A_570 : vector<16xf32>
      %add3A_574 = arith.addf %add3A_558, %mul3A_573 : vector<16xf32>
      %add3A_575 = arith.constant 30 : i32
      %add3A_576 = vector.broadcast %add3A_575 : i32 to vector<16xi32>
      %add3A_577 = arith.addi %mul3A_72, %add3A_576 : vector<16xi32>
      %gather3A_578 = tpu.vector_load_idx %arg15[%add3A_64, %add3A_577] : memref<256x128xf32, #tpu.memory_space<vmem>>[vector<16xi32>, vector<16xi32>], vector<16xf32>,
      %add3A_579 = arith.constant 30 : i32
      %add3A_580 = vector.broadcast %add3A_579 : i32 to vector<16xi32>
      %add3A_581 = arith.addi %mul3A_82, %add3A_580 : vector<16xi32>
      %gather3A_582 = tpu.vector_load_idx %arg16[%add3A_64, %add3A_581] : memref<256x128xf32, #tpu.memory_space<vmem>>[vector<16xi32>, vector<16xi32>], vector<16xf32>,
      %add3A_583 = arith.constant 30 : i32
      %add3A_584 = vector.broadcast %add3A_583 : i32 to vector<16xi32>
      %add3A_585 = arith.addi %mul3A_92, %add3A_584 : vector<16xi32>
      %gather3A_586 = tpu.vector_load_idx %arg17[%add3A_64, %add3A_585] : memref<256x128xf32, #tpu.memory_space<vmem>>[vector<16xi32>, vector<16xi32>], vector<16xf32>,
      %mul3A_587 = arith.mulf %gather3A_578, %gather3A_582 : vector<16xf32>
      %add3A_588 = arith.addf %add3A_572, %mul3A_587 : vector<16xf32>
      %mul3A_589 = arith.mulf %gather3A_578, %gather3A_586 : vector<16xf32>
      %add3A_590 = arith.addf %add3A_574, %mul3A_589 : vector<16xf32>
      %add3A_591 = arith.constant 31 : i32
      %add3A_592 = vector.broadcast %add3A_591 : i32 to vector<16xi32>
      %add3A_593 = arith.addi %mul3A_72, %add3A_592 : vector<16xi32>
      %gather3A_594 = tpu.vector_load_idx %arg15[%add3A_64, %add3A_593] : memref<256x128xf32, #tpu.memory_space<vmem>>[vector<16xi32>, vector<16xi32>], vector<16xf32>,
      %add3A_595 = arith.constant 31 : i32
      %add3A_596 = vector.broadcast %add3A_595 : i32 to vector<16xi32>
      %add3A_597 = arith.addi %mul3A_82, %add3A_596 : vector<16xi32>
      %gather3A_598 = tpu.vector_load_idx %arg16[%add3A_64, %add3A_597] : memref<256x128xf32, #tpu.memory_space<vmem>>[vector<16xi32>, vector<16xi32>], vector<16xf32>,
      %add3A_599 = arith.constant 31 : i32
      %add3A_600 = vector.broadcast %add3A_599 : i32 to vector<16xi32>
      %add3A_601 = arith.addi %mul3A_92, %add3A_600 : vector<16xi32>
      %gather3A_602 = tpu.vector_load_idx %arg17[%add3A_64, %add3A_601] : memref<256x128xf32, #tpu.memory_space<vmem>>[vector<16xi32>, vector<16xi32>], vector<16xf32>,
      %mul3A_603 = arith.mulf %gather3A_594, %gather3A_598 : vector<16xf32>
      %add3A_604 = arith.addf %add3A_588, %mul3A_603 : vector<16xf32>
      %mul3A_605 = arith.mulf %gather3A_594, %gather3A_602 : vector<16xf32>
      %add3A_606 = arith.addf %add3A_590, %mul3A_605 : vector<16xf32>
      %add3A_607 = arith.constant 0 : i32
      %add3A_608 = arith.addi %add3A_607, %mul3A_62 : i32
      %swap3A = arith.index_cast %add3A_608 : i32 to index
      %swap3A_609 = tpu.vector_load %arg18[%swap3A] {strides = array<i32>} : memref<512xf32, #tpu.memory_space<vmem>>, vector<16xf32>,
      tpu.vector_store %arg18[%swap3A], %add3A_604 {strides = array<i32>} : memref<512xf32, #tpu.memory_space<vmem>>, vector<16xf32>,
      %add3A_610 = arith.constant 0 : i32
      %add3A_611 = arith.addi %add3A_610, %mul3A_62 : i32
      %swap3A_612 = arith.index_cast %add3A_611 : i32 to index
      %swap3A_613 = tpu.vector_load %arg19[%swap3A_612] {strides = array<i32>} : memref<512xf32, #tpu.memory_space<vmem>>, vector<16xf32>,
      tpu.vector_store %arg19[%swap3A_612], %add3A_606 {strides = array<i32>} : memref<512xf32, #tpu.memory_space<vmem>>, vector<16xf32>,
    }
    %scan3A_29 = arith.constant 16 : i32
    %scan3A_30 = arith.constant 0 : i32
    %scan3A_31 = arith.constant 0 : i32
    %scan3A_32 = arith.constant 16 : i32
    %scan3A_33 = arith.addi %scan3A_31, %scan3A_32 : i32
    %scan3A_34 = arith.constant 1 : i32
    scf.for %scan3A_60 = %scan3A_31 to %scan3A_33 step %scan3A_34  : i32 {
      %mul3A_61 = arith.constant 16 : i32
      %mul3A_62 = arith.muli %scan3A_60, %mul3A_61 : i32
      %add3A_63 = arith.constant 256 : i32
      %add3A_64 = arith.addi %add3A_63, %mul3A_62 : i32
      %get3A = arith.index_cast %add3A_64 : i32 to index
      %get3A_65 = tpu.vector_load %arg9[%get3A] {strides = array<i32>} : memref<512xi32, #tpu.memory_space<vmem>>, vector<16xi32>,
      %shift_right_arithmetic3A = arith.constant 2 : i32
      %shift_right_arithmetic3A_66 = vector.broadcast %shift_right_arithmetic3A : i32 to vector<16xi32>
      %shift_right_arithmetic3A_67 = arith.shrsi %get3A_65, %shift_right_arithmetic3A_66 : vector<16xi32>
      %swap3A = arith.index_cast %mul3A_62 : i32 to index
      %swap3A_68 = tpu.vector_load %arg12[%swap3A] {strides = array<i32>} : memref<256xi32, #tpu.memory_space<vmem>>, vector<16xi32>,
      tpu.vector_store %arg12[%swap3A], %shift_right_arithmetic3A_67 {strides = array<i32>} : memref<256xi32, #tpu.memory_space<vmem>>, vector<16xi32>,
      %add3A_69 = arith.constant 256 : i32
      %add3A_70 = arith.addi %add3A_69, %mul3A_62 : i32
      %get3A_71 = arith.index_cast %add3A_70 : i32 to index
      %get3A_72 = tpu.vector_load %arg10[%get3A_71] {strides = array<i32>} : memref<512xi32, #tpu.memory_space<vmem>>, vector<16xi32>,
      %shift_right_arithmetic3A_73 = arith.constant 2 : i32
      %shift_right_arithmetic3A_74 = vector.broadcast %shift_right_arithmetic3A_73 : i32 to vector<16xi32>
      %shift_right_arithmetic3A_75 = arith.shrsi %get3A_72, %shift_right_arithmetic3A_74 : vector<16xi32>
      %swap3A_76 = arith.index_cast %mul3A_62 : i32 to index
      %swap3A_77 = tpu.vector_load %arg13[%swap3A_76] {strides = array<i32>} : memref<256xi32, #tpu.memory_space<vmem>>, vector<16xi32>,
      tpu.vector_store %arg13[%swap3A_76], %shift_right_arithmetic3A_75 {strides = array<i32>} : memref<256xi32, #tpu.memory_space<vmem>>, vector<16xi32>,
      %add3A_78 = arith.constant 256 : i32
      %add3A_79 = arith.addi %add3A_78, %mul3A_62 : i32
      %get3A_80 = arith.index_cast %add3A_79 : i32 to index
      %get3A_81 = tpu.vector_load %arg11[%get3A_80] {strides = array<i32>} : memref<512xi32, #tpu.memory_space<vmem>>, vector<16xi32>,
      %shift_right_arithmetic3A_82 = arith.constant 2 : i32
      %shift_right_arithmetic3A_83 = vector.broadcast %shift_right_arithmetic3A_82 : i32 to vector<16xi32>
      %shift_right_arithmetic3A_84 = arith.shrsi %get3A_81, %shift_right_arithmetic3A_83 : vector<16xi32>
      %swap3A_85 = arith.index_cast %mul3A_62 : i32 to index
      %swap3A_86 = tpu.vector_load %arg14[%swap3A_85] {strides = array<i32>} : memref<256xi32, #tpu.memory_space<vmem>>, vector<16xi32>,
      tpu.vector_store %arg14[%swap3A_85], %shift_right_arithmetic3A_84 {strides = array<i32>} : memref<256xi32, #tpu.memory_space<vmem>>, vector<16xi32>,
    }
    %scan3A_35 = arith.constant 16 : i32
    %dma_start3A_36 = arith.constant 0 : i32
    %dma_start3A_37 = arith.constant 0 : i32
    %dma_start3A_38 = tpu.memref_slice %arg5[%dma_start3A_36, %dma_start3A_37] : memref<250000x128xf32, #tpu.memory_space<hbm>> -> memref<250000x128xf32, #tpu.memory_space<hbm>>
    tpu.enqueue_indirect_dma source(%dma_start3A_38 : memref<250000x128xf32, #tpu.memory_space<hbm>>) target(%arg15 : memref<256x128xf32, #tpu.memory_space<vmem>>) offsets(%arg12 : memref<256xi32, #tpu.memory_space<vmem>>) semaphore(%arg20 : memref<!tpu.dma_semaphore, #tpu.memory_space<semaphore_mem>>)
    %dma_start3A_39 = arith.constant 0 : i32
    %dma_start3A_40 = arith.constant 0 : i32
    %dma_start3A_41 = tpu.memref_slice %arg6[%dma_start3A_39, %dma_start3A_40] : memref<250000x128xf32, #tpu.memory_space<hbm>> -> memref<250000x128xf32, #tpu.memory_space<hbm>>
    tpu.enqueue_indirect_dma source(%dma_start3A_41 : memref<250000x128xf32, #tpu.memory_space<hbm>>) target(%arg16 : memref<256x128xf32, #tpu.memory_space<vmem>>) offsets(%arg13 : memref<256xi32, #tpu.memory_space<vmem>>) semaphore(%arg20 : memref<!tpu.dma_semaphore, #tpu.memory_space<semaphore_mem>>)
    %dma_start3A_42 = arith.constant 0 : i32
    %dma_start3A_43 = arith.constant 0 : i32
    %dma_start3A_44 = tpu.memref_slice %arg6[%dma_start3A_42, %dma_start3A_43] : memref<250000x128xf32, #tpu.memory_space<hbm>> -> memref<250000x128xf32, #tpu.memory_space<hbm>>
    tpu.enqueue_indirect_dma source(%dma_start3A_44 : memref<250000x128xf32, #tpu.memory_space<hbm>>) target(%arg17 : memref<256x128xf32, #tpu.memory_space<vmem>>) offsets(%arg14 : memref<256xi32, #tpu.memory_space<vmem>>) semaphore(%arg20 : memref<!tpu.dma_semaphore, #tpu.memory_space<semaphore_mem>>)
    %dma_wait3A_45 = arith.constant 0 : i32
    %dma_wait3A_46 = arith.constant 0 : i32
    %dma_wait3A_47 = tpu.memref_slice %arg5[%dma_wait3A_45, %dma_wait3A_46] : memref<250000x128xf32, #tpu.memory_space<hbm>> -> memref<250000x128xf32, #tpu.memory_space<hbm>>
    tpu.wait_indirect_dma semaphore(%arg20 : memref<!tpu.dma_semaphore, #tpu.memory_space<semaphore_mem>>) src(%dma_wait3A_47 : memref<250000x128xf32, #tpu.memory_space<hbm>>) dst(%arg15 : memref<256x128xf32, #tpu.memory_space<vmem>>)
    %dma_wait3A_48 = arith.constant 0 : i32
    %dma_wait3A_49 = arith.constant 0 : i32
    %dma_wait3A_50 = tpu.memref_slice %arg6[%dma_wait3A_48, %dma_wait3A_49] : memref<250000x128xf32, #tpu.memory_space<hbm>> -> memref<250000x128xf32, #tpu.memory_space<hbm>>
    tpu.wait_indirect_dma semaphore(%arg20 : memref<!tpu.dma_semaphore, #tpu.memory_space<semaphore_mem>>) src(%dma_wait3A_50 : memref<250000x128xf32, #tpu.memory_space<hbm>>) dst(%arg16 : memref<256x128xf32, #tpu.memory_space<vmem>>)
    %dma_wait3A_51 = arith.constant 0 : i32
    %dma_wait3A_52 = arith.constant 0 : i32
    %dma_wait3A_53 = tpu.memref_slice %arg6[%dma_wait3A_51, %dma_wait3A_52] : memref<250000x128xf32, #tpu.memory_space<hbm>> -> memref<250000x128xf32, #tpu.memory_space<hbm>>
    tpu.wait_indirect_dma semaphore(%arg20 : memref<!tpu.dma_semaphore, #tpu.memory_space<semaphore_mem>>) src(%dma_wait3A_53 : memref<250000x128xf32, #tpu.memory_space<hbm>>) dst(%arg17 : memref<256x128xf32, #tpu.memory_space<vmem>>)
    %scan3A_54 = arith.constant 0 : i32
    %scan3A_55 = arith.constant 0 : i32
    %scan3A_56 = arith.constant 16 : i32
    %scan3A_57 = arith.addi %scan3A_55, %scan3A_56 : i32
    %scan3A_58 = arith.constant 1 : i32
    scf.for %scan3A_60 = %scan3A_55 to %scan3A_57 step %scan3A_58  : i32 {
      %mul3A_61 = arith.constant 16 : i32
      %mul3A_62 = arith.muli %scan3A_60, %mul3A_61 : i32
      %iota3A = tpu.iota {dimensions = array<i32: 0>} : vector<16xi32>
      %add3A_63 = vector.broadcast %mul3A_62 : i32 to vector<16xi32>
      %add3A_64 = arith.addi %add3A_63, %iota3A : vector<16xi32>
      %add3A_65 = arith.constant 256 : i32
      %add3A_66 = arith.addi %add3A_65, %mul3A_62 : i32
      %get3A = arith.index_cast %add3A_66 : i32 to index
      %get3A_67 = tpu.vector_load %arg9[%get3A] {strides = array<i32>} : memref<512xi32, #tpu.memory_space<vmem>>, vector<16xi32>,
      %and3A = arith.constant 3 : i32
      %and3A_68 = vector.broadcast %and3A : i32 to vector<16xi32>
      %and3A_69 = arith.andi %get3A_67, %and3A_68 : vector<16xi32>
      %mul3A_70 = arith.constant 32 : i32
      %mul3A_71 = vector.broadcast %mul3A_70 : i32 to vector<16xi32>
      %mul3A_72 = arith.muli %and3A_69, %mul3A_71 : vector<16xi32>
      %add3A_73 = arith.constant 256 : i32
      %add3A_74 = arith.addi %add3A_73, %mul3A_62 : i32
      %get3A_75 = arith.index_cast %add3A_74 : i32 to index
      %get3A_76 = tpu.vector_load %arg10[%get3A_75] {strides = array<i32>} : memref<512xi32, #tpu.memory_space<vmem>>, vector<16xi32>,
      %and3A_77 = arith.constant 3 : i32
      %and3A_78 = vector.broadcast %and3A_77 : i32 to vector<16xi32>
      %and3A_79 = arith.andi %get3A_76, %and3A_78 : vector<16xi32>
      %mul3A_80 = arith.constant 32 : i32
      %mul3A_81 = vector.broadcast %mul3A_80 : i32 to vector<16xi32>
      %mul3A_82 = arith.muli %and3A_79, %mul3A_81 : vector<16xi32>
      %add3A_83 = arith.constant 256 : i32
      %add3A_84 = arith.addi %add3A_83, %mul3A_62 : i32
      %get3A_85 = arith.index_cast %add3A_84 : i32 to index
      %get3A_86 = tpu.vector_load %arg11[%get3A_85] {strides = array<i32>} : memref<512xi32, #tpu.memory_space<vmem>>, vector<16xi32>,
      %and3A_87 = arith.constant 3 : i32
      %and3A_88 = vector.broadcast %and3A_87 : i32 to vector<16xi32>
      %and3A_89 = arith.andi %get3A_86, %and3A_88 : vector<16xi32>
      %mul3A_90 = arith.constant 32 : i32
      %mul3A_91 = vector.broadcast %mul3A_90 : i32 to vector<16xi32>
      %mul3A_92 = arith.muli %and3A_89, %mul3A_91 : vector<16xi32>
      %broadcast_in_dim3A = arith.constant 0.000000e+00 : f32
      %broadcast_in_dim3A_93 = vector.broadcast %broadcast_in_dim3A : f32 to vector<16xf32>
      %broadcast_in_dim3A_94 = arith.constant 0.000000e+00 : f32
      %broadcast_in_dim3A_95 = vector.broadcast %broadcast_in_dim3A_94 : f32 to vector<16xf32>
      %add3A_96 = arith.constant 0 : i32
      %add3A_97 = vector.broadcast %add3A_96 : i32 to vector<16xi32>
      %add3A_98 = arith.addi %mul3A_72, %add3A_97 : vector<16xi32>
      %gather3A = tpu.vector_load_idx %arg15[%add3A_64, %add3A_98] : memref<256x128xf32, #tpu.memory_space<vmem>>[vector<16xi32>, vector<16xi32>], vector<16xf32>,
      %add3A_99 = arith.constant 0 : i32
      %add3A_100 = vector.broadcast %add3A_99 : i32 to vector<16xi32>
      %add3A_101 = arith.addi %mul3A_82, %add3A_100 : vector<16xi32>
      %gather3A_102 = tpu.vector_load_idx %arg16[%add3A_64, %add3A_101] : memref<256x128xf32, #tpu.memory_space<vmem>>[vector<16xi32>, vector<16xi32>], vector<16xf32>,
      %add3A_103 = arith.constant 0 : i32
      %add3A_104 = vector.broadcast %add3A_103 : i32 to vector<16xi32>
      %add3A_105 = arith.addi %mul3A_92, %add3A_104 : vector<16xi32>
      %gather3A_106 = tpu.vector_load_idx %arg17[%add3A_64, %add3A_105] : memref<256x128xf32, #tpu.memory_space<vmem>>[vector<16xi32>, vector<16xi32>], vector<16xf32>,
      %mul3A_107 = arith.mulf %gather3A, %gather3A_102 : vector<16xf32>
      %add3A_108 = arith.addf %broadcast_in_dim3A_93, %mul3A_107 : vector<16xf32>
      %mul3A_109 = arith.mulf %gather3A, %gather3A_106 : vector<16xf32>
      %add3A_110 = arith.addf %broadcast_in_dim3A_95, %mul3A_109 : vector<16xf32>
      %add3A_111 = arith.constant 1 : i32
      %add3A_112 = vector.broadcast %add3A_111 : i32 to vector<16xi32>
      %add3A_113 = arith.addi %mul3A_72, %add3A_112 : vector<16xi32>
      %gather3A_114 = tpu.vector_load_idx %arg15[%add3A_64, %add3A_113] : memref<256x128xf32, #tpu.memory_space<vmem>>[vector<16xi32>, vector<16xi32>], vector<16xf32>,
      %add3A_115 = arith.constant 1 : i32
      %add3A_116 = vector.broadcast %add3A_115 : i32 to vector<16xi32>
      %add3A_117 = arith.addi %mul3A_82, %add3A_116 : vector<16xi32>
      %gather3A_118 = tpu.vector_load_idx %arg16[%add3A_64, %add3A_117] : memref<256x128xf32, #tpu.memory_space<vmem>>[vector<16xi32>, vector<16xi32>], vector<16xf32>,
      %add3A_119 = arith.constant 1 : i32
      %add3A_120 = vector.broadcast %add3A_119 : i32 to vector<16xi32>
      %add3A_121 = arith.addi %mul3A_92, %add3A_120 : vector<16xi32>
      %gather3A_122 = tpu.vector_load_idx %arg17[%add3A_64, %add3A_121] : memref<256x128xf32, #tpu.memory_space<vmem>>[vector<16xi32>, vector<16xi32>], vector<16xf32>,
      %mul3A_123 = arith.mulf %gather3A_114, %gather3A_118 : vector<16xf32>
      %add3A_124 = arith.addf %add3A_108, %mul3A_123 : vector<16xf32>
      %mul3A_125 = arith.mulf %gather3A_114, %gather3A_122 : vector<16xf32>
      %add3A_126 = arith.addf %add3A_110, %mul3A_125 : vector<16xf32>
      %add3A_127 = arith.constant 2 : i32
      %add3A_128 = vector.broadcast %add3A_127 : i32 to vector<16xi32>
      %add3A_129 = arith.addi %mul3A_72, %add3A_128 : vector<16xi32>
      %gather3A_130 = tpu.vector_load_idx %arg15[%add3A_64, %add3A_129] : memref<256x128xf32, #tpu.memory_space<vmem>>[vector<16xi32>, vector<16xi32>], vector<16xf32>,
      %add3A_131 = arith.constant 2 : i32
      %add3A_132 = vector.broadcast %add3A_131 : i32 to vector<16xi32>
      %add3A_133 = arith.addi %mul3A_82, %add3A_132 : vector<16xi32>
      %gather3A_134 = tpu.vector_load_idx %arg16[%add3A_64, %add3A_133] : memref<256x128xf32, #tpu.memory_space<vmem>>[vector<16xi32>, vector<16xi32>], vector<16xf32>,
      %add3A_135 = arith.constant 2 : i32
      %add3A_136 = vector.broadcast %add3A_135 : i32 to vector<16xi32>
      %add3A_137 = arith.addi %mul3A_92, %add3A_136 : vector<16xi32>
      %gather3A_138 = tpu.vector_load_idx %arg17[%add3A_64, %add3A_137] : memref<256x128xf32, #tpu.memory_space<vmem>>[vector<16xi32>, vector<16xi32>], vector<16xf32>,
      %mul3A_139 = arith.mulf %gather3A_130, %gather3A_134 : vector<16xf32>
      %add3A_140 = arith.addf %add3A_124, %mul3A_139 : vector<16xf32>
      %mul3A_141 = arith.mulf %gather3A_130, %gather3A_138 : vector<16xf32>
      %add3A_142 = arith.addf %add3A_126, %mul3A_141 : vector<16xf32>
      %add3A_143 = arith.constant 3 : i32
      %add3A_144 = vector.broadcast %add3A_143 : i32 to vector<16xi32>
      %add3A_145 = arith.addi %mul3A_72, %add3A_144 : vector<16xi32>
      %gather3A_146 = tpu.vector_load_idx %arg15[%add3A_64, %add3A_145] : memref<256x128xf32, #tpu.memory_space<vmem>>[vector<16xi32>, vector<16xi32>], vector<16xf32>,
      %add3A_147 = arith.constant 3 : i32
      %add3A_148 = vector.broadcast %add3A_147 : i32 to vector<16xi32>
      %add3A_149 = arith.addi %mul3A_82, %add3A_148 : vector<16xi32>
      %gather3A_150 = tpu.vector_load_idx %arg16[%add3A_64, %add3A_149] : memref<256x128xf32, #tpu.memory_space<vmem>>[vector<16xi32>, vector<16xi32>], vector<16xf32>,
      %add3A_151 = arith.constant 3 : i32
      %add3A_152 = vector.broadcast %add3A_151 : i32 to vector<16xi32>
      %add3A_153 = arith.addi %mul3A_92, %add3A_152 : vector<16xi32>
      %gather3A_154 = tpu.vector_load_idx %arg17[%add3A_64, %add3A_153] : memref<256x128xf32, #tpu.memory_space<vmem>>[vector<16xi32>, vector<16xi32>], vector<16xf32>,
      %mul3A_155 = arith.mulf %gather3A_146, %gather3A_150 : vector<16xf32>
      %add3A_156 = arith.addf %add3A_140, %mul3A_155 : vector<16xf32>
      %mul3A_157 = arith.mulf %gather3A_146, %gather3A_154 : vector<16xf32>
      %add3A_158 = arith.addf %add3A_142, %mul3A_157 : vector<16xf32>
      %add3A_159 = arith.constant 4 : i32
      %add3A_160 = vector.broadcast %add3A_159 : i32 to vector<16xi32>
      %add3A_161 = arith.addi %mul3A_72, %add3A_160 : vector<16xi32>
      %gather3A_162 = tpu.vector_load_idx %arg15[%add3A_64, %add3A_161] : memref<256x128xf32, #tpu.memory_space<vmem>>[vector<16xi32>, vector<16xi32>], vector<16xf32>,
      %add3A_163 = arith.constant 4 : i32
      %add3A_164 = vector.broadcast %add3A_163 : i32 to vector<16xi32>
      %add3A_165 = arith.addi %mul3A_82, %add3A_164 : vector<16xi32>
      %gather3A_166 = tpu.vector_load_idx %arg16[%add3A_64, %add3A_165] : memref<256x128xf32, #tpu.memory_space<vmem>>[vector<16xi32>, vector<16xi32>], vector<16xf32>,
      %add3A_167 = arith.constant 4 : i32
      %add3A_168 = vector.broadcast %add3A_167 : i32 to vector<16xi32>
      %add3A_169 = arith.addi %mul3A_92, %add3A_168 : vector<16xi32>
      %gather3A_170 = tpu.vector_load_idx %arg17[%add3A_64, %add3A_169] : memref<256x128xf32, #tpu.memory_space<vmem>>[vector<16xi32>, vector<16xi32>], vector<16xf32>,
      %mul3A_171 = arith.mulf %gather3A_162, %gather3A_166 : vector<16xf32>
      %add3A_172 = arith.addf %add3A_156, %mul3A_171 : vector<16xf32>
      %mul3A_173 = arith.mulf %gather3A_162, %gather3A_170 : vector<16xf32>
      %add3A_174 = arith.addf %add3A_158, %mul3A_173 : vector<16xf32>
      %add3A_175 = arith.constant 5 : i32
      %add3A_176 = vector.broadcast %add3A_175 : i32 to vector<16xi32>
      %add3A_177 = arith.addi %mul3A_72, %add3A_176 : vector<16xi32>
      %gather3A_178 = tpu.vector_load_idx %arg15[%add3A_64, %add3A_177] : memref<256x128xf32, #tpu.memory_space<vmem>>[vector<16xi32>, vector<16xi32>], vector<16xf32>,
      %add3A_179 = arith.constant 5 : i32
      %add3A_180 = vector.broadcast %add3A_179 : i32 to vector<16xi32>
      %add3A_181 = arith.addi %mul3A_82, %add3A_180 : vector<16xi32>
      %gather3A_182 = tpu.vector_load_idx %arg16[%add3A_64, %add3A_181] : memref<256x128xf32, #tpu.memory_space<vmem>>[vector<16xi32>, vector<16xi32>], vector<16xf32>,
      %add3A_183 = arith.constant 5 : i32
      %add3A_184 = vector.broadcast %add3A_183 : i32 to vector<16xi32>
      %add3A_185 = arith.addi %mul3A_92, %add3A_184 : vector<16xi32>
      %gather3A_186 = tpu.vector_load_idx %arg17[%add3A_64, %add3A_185] : memref<256x128xf32, #tpu.memory_space<vmem>>[vector<16xi32>, vector<16xi32>], vector<16xf32>,
      %mul3A_187 = arith.mulf %gather3A_178, %gather3A_182 : vector<16xf32>
      %add3A_188 = arith.addf %add3A_172, %mul3A_187 : vector<16xf32>
      %mul3A_189 = arith.mulf %gather3A_178, %gather3A_186 : vector<16xf32>
      %add3A_190 = arith.addf %add3A_174, %mul3A_189 : vector<16xf32>
      %add3A_191 = arith.constant 6 : i32
      %add3A_192 = vector.broadcast %add3A_191 : i32 to vector<16xi32>
      %add3A_193 = arith.addi %mul3A_72, %add3A_192 : vector<16xi32>
      %gather3A_194 = tpu.vector_load_idx %arg15[%add3A_64, %add3A_193] : memref<256x128xf32, #tpu.memory_space<vmem>>[vector<16xi32>, vector<16xi32>], vector<16xf32>,
      %add3A_195 = arith.constant 6 : i32
      %add3A_196 = vector.broadcast %add3A_195 : i32 to vector<16xi32>
      %add3A_197 = arith.addi %mul3A_82, %add3A_196 : vector<16xi32>
      %gather3A_198 = tpu.vector_load_idx %arg16[%add3A_64, %add3A_197] : memref<256x128xf32, #tpu.memory_space<vmem>>[vector<16xi32>, vector<16xi32>], vector<16xf32>,
      %add3A_199 = arith.constant 6 : i32
      %add3A_200 = vector.broadcast %add3A_199 : i32 to vector<16xi32>
      %add3A_201 = arith.addi %mul3A_92, %add3A_200 : vector<16xi32>
      %gather3A_202 = tpu.vector_load_idx %arg17[%add3A_64, %add3A_201] : memref<256x128xf32, #tpu.memory_space<vmem>>[vector<16xi32>, vector<16xi32>], vector<16xf32>,
      %mul3A_203 = arith.mulf %gather3A_194, %gather3A_198 : vector<16xf32>
      %add3A_204 = arith.addf %add3A_188, %mul3A_203 : vector<16xf32>
      %mul3A_205 = arith.mulf %gather3A_194, %gather3A_202 : vector<16xf32>
      %add3A_206 = arith.addf %add3A_190, %mul3A_205 : vector<16xf32>
      %add3A_207 = arith.constant 7 : i32
      %add3A_208 = vector.broadcast %add3A_207 : i32 to vector<16xi32>
      %add3A_209 = arith.addi %mul3A_72, %add3A_208 : vector<16xi32>
      %gather3A_210 = tpu.vector_load_idx %arg15[%add3A_64, %add3A_209] : memref<256x128xf32, #tpu.memory_space<vmem>>[vector<16xi32>, vector<16xi32>], vector<16xf32>,
      %add3A_211 = arith.constant 7 : i32
      %add3A_212 = vector.broadcast %add3A_211 : i32 to vector<16xi32>
      %add3A_213 = arith.addi %mul3A_82, %add3A_212 : vector<16xi32>
      %gather3A_214 = tpu.vector_load_idx %arg16[%add3A_64, %add3A_213] : memref<256x128xf32, #tpu.memory_space<vmem>>[vector<16xi32>, vector<16xi32>], vector<16xf32>,
      %add3A_215 = arith.constant 7 : i32
      %add3A_216 = vector.broadcast %add3A_215 : i32 to vector<16xi32>
      %add3A_217 = arith.addi %mul3A_92, %add3A_216 : vector<16xi32>
      %gather3A_218 = tpu.vector_load_idx %arg17[%add3A_64, %add3A_217] : memref<256x128xf32, #tpu.memory_space<vmem>>[vector<16xi32>, vector<16xi32>], vector<16xf32>,
      %mul3A_219 = arith.mulf %gather3A_210, %gather3A_214 : vector<16xf32>
      %add3A_220 = arith.addf %add3A_204, %mul3A_219 : vector<16xf32>
      %mul3A_221 = arith.mulf %gather3A_210, %gather3A_218 : vector<16xf32>
      %add3A_222 = arith.addf %add3A_206, %mul3A_221 : vector<16xf32>
      %add3A_223 = arith.constant 8 : i32
      %add3A_224 = vector.broadcast %add3A_223 : i32 to vector<16xi32>
      %add3A_225 = arith.addi %mul3A_72, %add3A_224 : vector<16xi32>
      %gather3A_226 = tpu.vector_load_idx %arg15[%add3A_64, %add3A_225] : memref<256x128xf32, #tpu.memory_space<vmem>>[vector<16xi32>, vector<16xi32>], vector<16xf32>,
      %add3A_227 = arith.constant 8 : i32
      %add3A_228 = vector.broadcast %add3A_227 : i32 to vector<16xi32>
      %add3A_229 = arith.addi %mul3A_82, %add3A_228 : vector<16xi32>
      %gather3A_230 = tpu.vector_load_idx %arg16[%add3A_64, %add3A_229] : memref<256x128xf32, #tpu.memory_space<vmem>>[vector<16xi32>, vector<16xi32>], vector<16xf32>,
      %add3A_231 = arith.constant 8 : i32
      %add3A_232 = vector.broadcast %add3A_231 : i32 to vector<16xi32>
      %add3A_233 = arith.addi %mul3A_92, %add3A_232 : vector<16xi32>
      %gather3A_234 = tpu.vector_load_idx %arg17[%add3A_64, %add3A_233] : memref<256x128xf32, #tpu.memory_space<vmem>>[vector<16xi32>, vector<16xi32>], vector<16xf32>,
      %mul3A_235 = arith.mulf %gather3A_226, %gather3A_230 : vector<16xf32>
      %add3A_236 = arith.addf %add3A_220, %mul3A_235 : vector<16xf32>
      %mul3A_237 = arith.mulf %gather3A_226, %gather3A_234 : vector<16xf32>
      %add3A_238 = arith.addf %add3A_222, %mul3A_237 : vector<16xf32>
      %add3A_239 = arith.constant 9 : i32
      %add3A_240 = vector.broadcast %add3A_239 : i32 to vector<16xi32>
      %add3A_241 = arith.addi %mul3A_72, %add3A_240 : vector<16xi32>
      %gather3A_242 = tpu.vector_load_idx %arg15[%add3A_64, %add3A_241] : memref<256x128xf32, #tpu.memory_space<vmem>>[vector<16xi32>, vector<16xi32>], vector<16xf32>,
      %add3A_243 = arith.constant 9 : i32
      %add3A_244 = vector.broadcast %add3A_243 : i32 to vector<16xi32>
      %add3A_245 = arith.addi %mul3A_82, %add3A_244 : vector<16xi32>
      %gather3A_246 = tpu.vector_load_idx %arg16[%add3A_64, %add3A_245] : memref<256x128xf32, #tpu.memory_space<vmem>>[vector<16xi32>, vector<16xi32>], vector<16xf32>,
      %add3A_247 = arith.constant 9 : i32
      %add3A_248 = vector.broadcast %add3A_247 : i32 to vector<16xi32>
      %add3A_249 = arith.addi %mul3A_92, %add3A_248 : vector<16xi32>
      %gather3A_250 = tpu.vector_load_idx %arg17[%add3A_64, %add3A_249] : memref<256x128xf32, #tpu.memory_space<vmem>>[vector<16xi32>, vector<16xi32>], vector<16xf32>,
      %mul3A_251 = arith.mulf %gather3A_242, %gather3A_246 : vector<16xf32>
      %add3A_252 = arith.addf %add3A_236, %mul3A_251 : vector<16xf32>
      %mul3A_253 = arith.mulf %gather3A_242, %gather3A_250 : vector<16xf32>
      %add3A_254 = arith.addf %add3A_238, %mul3A_253 : vector<16xf32>
      %add3A_255 = arith.constant 10 : i32
      %add3A_256 = vector.broadcast %add3A_255 : i32 to vector<16xi32>
      %add3A_257 = arith.addi %mul3A_72, %add3A_256 : vector<16xi32>
      %gather3A_258 = tpu.vector_load_idx %arg15[%add3A_64, %add3A_257] : memref<256x128xf32, #tpu.memory_space<vmem>>[vector<16xi32>, vector<16xi32>], vector<16xf32>,
      %add3A_259 = arith.constant 10 : i32
      %add3A_260 = vector.broadcast %add3A_259 : i32 to vector<16xi32>
      %add3A_261 = arith.addi %mul3A_82, %add3A_260 : vector<16xi32>
      %gather3A_262 = tpu.vector_load_idx %arg16[%add3A_64, %add3A_261] : memref<256x128xf32, #tpu.memory_space<vmem>>[vector<16xi32>, vector<16xi32>], vector<16xf32>,
      %add3A_263 = arith.constant 10 : i32
      %add3A_264 = vector.broadcast %add3A_263 : i32 to vector<16xi32>
      %add3A_265 = arith.addi %mul3A_92, %add3A_264 : vector<16xi32>
      %gather3A_266 = tpu.vector_load_idx %arg17[%add3A_64, %add3A_265] : memref<256x128xf32, #tpu.memory_space<vmem>>[vector<16xi32>, vector<16xi32>], vector<16xf32>,
      %mul3A_267 = arith.mulf %gather3A_258, %gather3A_262 : vector<16xf32>
      %add3A_268 = arith.addf %add3A_252, %mul3A_267 : vector<16xf32>
      %mul3A_269 = arith.mulf %gather3A_258, %gather3A_266 : vector<16xf32>
      %add3A_270 = arith.addf %add3A_254, %mul3A_269 : vector<16xf32>
      %add3A_271 = arith.constant 11 : i32
      %add3A_272 = vector.broadcast %add3A_271 : i32 to vector<16xi32>
      %add3A_273 = arith.addi %mul3A_72, %add3A_272 : vector<16xi32>
      %gather3A_274 = tpu.vector_load_idx %arg15[%add3A_64, %add3A_273] : memref<256x128xf32, #tpu.memory_space<vmem>>[vector<16xi32>, vector<16xi32>], vector<16xf32>,
      %add3A_275 = arith.constant 11 : i32
      %add3A_276 = vector.broadcast %add3A_275 : i32 to vector<16xi32>
      %add3A_277 = arith.addi %mul3A_82, %add3A_276 : vector<16xi32>
      %gather3A_278 = tpu.vector_load_idx %arg16[%add3A_64, %add3A_277] : memref<256x128xf32, #tpu.memory_space<vmem>>[vector<16xi32>, vector<16xi32>], vector<16xf32>,
      %add3A_279 = arith.constant 11 : i32
      %add3A_280 = vector.broadcast %add3A_279 : i32 to vector<16xi32>
      %add3A_281 = arith.addi %mul3A_92, %add3A_280 : vector<16xi32>
      %gather3A_282 = tpu.vector_load_idx %arg17[%add3A_64, %add3A_281] : memref<256x128xf32, #tpu.memory_space<vmem>>[vector<16xi32>, vector<16xi32>], vector<16xf32>,
      %mul3A_283 = arith.mulf %gather3A_274, %gather3A_278 : vector<16xf32>
      %add3A_284 = arith.addf %add3A_268, %mul3A_283 : vector<16xf32>
      %mul3A_285 = arith.mulf %gather3A_274, %gather3A_282 : vector<16xf32>
      %add3A_286 = arith.addf %add3A_270, %mul3A_285 : vector<16xf32>
      %add3A_287 = arith.constant 12 : i32
      %add3A_288 = vector.broadcast %add3A_287 : i32 to vector<16xi32>
      %add3A_289 = arith.addi %mul3A_72, %add3A_288 : vector<16xi32>
      %gather3A_290 = tpu.vector_load_idx %arg15[%add3A_64, %add3A_289] : memref<256x128xf32, #tpu.memory_space<vmem>>[vector<16xi32>, vector<16xi32>], vector<16xf32>,
      %add3A_291 = arith.constant 12 : i32
      %add3A_292 = vector.broadcast %add3A_291 : i32 to vector<16xi32>
      %add3A_293 = arith.addi %mul3A_82, %add3A_292 : vector<16xi32>
      %gather3A_294 = tpu.vector_load_idx %arg16[%add3A_64, %add3A_293] : memref<256x128xf32, #tpu.memory_space<vmem>>[vector<16xi32>, vector<16xi32>], vector<16xf32>,
      %add3A_295 = arith.constant 12 : i32
      %add3A_296 = vector.broadcast %add3A_295 : i32 to vector<16xi32>
      %add3A_297 = arith.addi %mul3A_92, %add3A_296 : vector<16xi32>
      %gather3A_298 = tpu.vector_load_idx %arg17[%add3A_64, %add3A_297] : memref<256x128xf32, #tpu.memory_space<vmem>>[vector<16xi32>, vector<16xi32>], vector<16xf32>,
      %mul3A_299 = arith.mulf %gather3A_290, %gather3A_294 : vector<16xf32>
      %add3A_300 = arith.addf %add3A_284, %mul3A_299 : vector<16xf32>
      %mul3A_301 = arith.mulf %gather3A_290, %gather3A_298 : vector<16xf32>
      %add3A_302 = arith.addf %add3A_286, %mul3A_301 : vector<16xf32>
      %add3A_303 = arith.constant 13 : i32
      %add3A_304 = vector.broadcast %add3A_303 : i32 to vector<16xi32>
      %add3A_305 = arith.addi %mul3A_72, %add3A_304 : vector<16xi32>
      %gather3A_306 = tpu.vector_load_idx %arg15[%add3A_64, %add3A_305] : memref<256x128xf32, #tpu.memory_space<vmem>>[vector<16xi32>, vector<16xi32>], vector<16xf32>,
      %add3A_307 = arith.constant 13 : i32
      %add3A_308 = vector.broadcast %add3A_307 : i32 to vector<16xi32>
      %add3A_309 = arith.addi %mul3A_82, %add3A_308 : vector<16xi32>
      %gather3A_310 = tpu.vector_load_idx %arg16[%add3A_64, %add3A_309] : memref<256x128xf32, #tpu.memory_space<vmem>>[vector<16xi32>, vector<16xi32>], vector<16xf32>,
      %add3A_311 = arith.constant 13 : i32
      %add3A_312 = vector.broadcast %add3A_311 : i32 to vector<16xi32>
      %add3A_313 = arith.addi %mul3A_92, %add3A_312 : vector<16xi32>
      %gather3A_314 = tpu.vector_load_idx %arg17[%add3A_64, %add3A_313] : memref<256x128xf32, #tpu.memory_space<vmem>>[vector<16xi32>, vector<16xi32>], vector<16xf32>,
      %mul3A_315 = arith.mulf %gather3A_306, %gather3A_310 : vector<16xf32>
      %add3A_316 = arith.addf %add3A_300, %mul3A_315 : vector<16xf32>
      %mul3A_317 = arith.mulf %gather3A_306, %gather3A_314 : vector<16xf32>
      %add3A_318 = arith.addf %add3A_302, %mul3A_317 : vector<16xf32>
      %add3A_319 = arith.constant 14 : i32
      %add3A_320 = vector.broadcast %add3A_319 : i32 to vector<16xi32>
      %add3A_321 = arith.addi %mul3A_72, %add3A_320 : vector<16xi32>
      %gather3A_322 = tpu.vector_load_idx %arg15[%add3A_64, %add3A_321] : memref<256x128xf32, #tpu.memory_space<vmem>>[vector<16xi32>, vector<16xi32>], vector<16xf32>,
      %add3A_323 = arith.constant 14 : i32
      %add3A_324 = vector.broadcast %add3A_323 : i32 to vector<16xi32>
      %add3A_325 = arith.addi %mul3A_82, %add3A_324 : vector<16xi32>
      %gather3A_326 = tpu.vector_load_idx %arg16[%add3A_64, %add3A_325] : memref<256x128xf32, #tpu.memory_space<vmem>>[vector<16xi32>, vector<16xi32>], vector<16xf32>,
      %add3A_327 = arith.constant 14 : i32
      %add3A_328 = vector.broadcast %add3A_327 : i32 to vector<16xi32>
      %add3A_329 = arith.addi %mul3A_92, %add3A_328 : vector<16xi32>
      %gather3A_330 = tpu.vector_load_idx %arg17[%add3A_64, %add3A_329] : memref<256x128xf32, #tpu.memory_space<vmem>>[vector<16xi32>, vector<16xi32>], vector<16xf32>,
      %mul3A_331 = arith.mulf %gather3A_322, %gather3A_326 : vector<16xf32>
      %add3A_332 = arith.addf %add3A_316, %mul3A_331 : vector<16xf32>
      %mul3A_333 = arith.mulf %gather3A_322, %gather3A_330 : vector<16xf32>
      %add3A_334 = arith.addf %add3A_318, %mul3A_333 : vector<16xf32>
      %add3A_335 = arith.constant 15 : i32
      %add3A_336 = vector.broadcast %add3A_335 : i32 to vector<16xi32>
      %add3A_337 = arith.addi %mul3A_72, %add3A_336 : vector<16xi32>
      %gather3A_338 = tpu.vector_load_idx %arg15[%add3A_64, %add3A_337] : memref<256x128xf32, #tpu.memory_space<vmem>>[vector<16xi32>, vector<16xi32>], vector<16xf32>,
      %add3A_339 = arith.constant 15 : i32
      %add3A_340 = vector.broadcast %add3A_339 : i32 to vector<16xi32>
      %add3A_341 = arith.addi %mul3A_82, %add3A_340 : vector<16xi32>
      %gather3A_342 = tpu.vector_load_idx %arg16[%add3A_64, %add3A_341] : memref<256x128xf32, #tpu.memory_space<vmem>>[vector<16xi32>, vector<16xi32>], vector<16xf32>,
      %add3A_343 = arith.constant 15 : i32
      %add3A_344 = vector.broadcast %add3A_343 : i32 to vector<16xi32>
      %add3A_345 = arith.addi %mul3A_92, %add3A_344 : vector<16xi32>
      %gather3A_346 = tpu.vector_load_idx %arg17[%add3A_64, %add3A_345] : memref<256x128xf32, #tpu.memory_space<vmem>>[vector<16xi32>, vector<16xi32>], vector<16xf32>,
      %mul3A_347 = arith.mulf %gather3A_338, %gather3A_342 : vector<16xf32>
      %add3A_348 = arith.addf %add3A_332, %mul3A_347 : vector<16xf32>
      %mul3A_349 = arith.mulf %gather3A_338, %gather3A_346 : vector<16xf32>
      %add3A_350 = arith.addf %add3A_334, %mul3A_349 : vector<16xf32>
      %add3A_351 = arith.constant 16 : i32
      %add3A_352 = vector.broadcast %add3A_351 : i32 to vector<16xi32>
      %add3A_353 = arith.addi %mul3A_72, %add3A_352 : vector<16xi32>
      %gather3A_354 = tpu.vector_load_idx %arg15[%add3A_64, %add3A_353] : memref<256x128xf32, #tpu.memory_space<vmem>>[vector<16xi32>, vector<16xi32>], vector<16xf32>,
      %add3A_355 = arith.constant 16 : i32
      %add3A_356 = vector.broadcast %add3A_355 : i32 to vector<16xi32>
      %add3A_357 = arith.addi %mul3A_82, %add3A_356 : vector<16xi32>
      %gather3A_358 = tpu.vector_load_idx %arg16[%add3A_64, %add3A_357] : memref<256x128xf32, #tpu.memory_space<vmem>>[vector<16xi32>, vector<16xi32>], vector<16xf32>,
      %add3A_359 = arith.constant 16 : i32
      %add3A_360 = vector.broadcast %add3A_359 : i32 to vector<16xi32>
      %add3A_361 = arith.addi %mul3A_92, %add3A_360 : vector<16xi32>
      %gather3A_362 = tpu.vector_load_idx %arg17[%add3A_64, %add3A_361] : memref<256x128xf32, #tpu.memory_space<vmem>>[vector<16xi32>, vector<16xi32>], vector<16xf32>,
      %mul3A_363 = arith.mulf %gather3A_354, %gather3A_358 : vector<16xf32>
      %add3A_364 = arith.addf %add3A_348, %mul3A_363 : vector<16xf32>
      %mul3A_365 = arith.mulf %gather3A_354, %gather3A_362 : vector<16xf32>
      %add3A_366 = arith.addf %add3A_350, %mul3A_365 : vector<16xf32>
      %add3A_367 = arith.constant 17 : i32
      %add3A_368 = vector.broadcast %add3A_367 : i32 to vector<16xi32>
      %add3A_369 = arith.addi %mul3A_72, %add3A_368 : vector<16xi32>
      %gather3A_370 = tpu.vector_load_idx %arg15[%add3A_64, %add3A_369] : memref<256x128xf32, #tpu.memory_space<vmem>>[vector<16xi32>, vector<16xi32>], vector<16xf32>,
      %add3A_371 = arith.constant 17 : i32
      %add3A_372 = vector.broadcast %add3A_371 : i32 to vector<16xi32>
      %add3A_373 = arith.addi %mul3A_82, %add3A_372 : vector<16xi32>
      %gather3A_374 = tpu.vector_load_idx %arg16[%add3A_64, %add3A_373] : memref<256x128xf32, #tpu.memory_space<vmem>>[vector<16xi32>, vector<16xi32>], vector<16xf32>,
      %add3A_375 = arith.constant 17 : i32
      %add3A_376 = vector.broadcast %add3A_375 : i32 to vector<16xi32>
      %add3A_377 = arith.addi %mul3A_92, %add3A_376 : vector<16xi32>
      %gather3A_378 = tpu.vector_load_idx %arg17[%add3A_64, %add3A_377] : memref<256x128xf32, #tpu.memory_space<vmem>>[vector<16xi32>, vector<16xi32>], vector<16xf32>,
      %mul3A_379 = arith.mulf %gather3A_370, %gather3A_374 : vector<16xf32>
      %add3A_380 = arith.addf %add3A_364, %mul3A_379 : vector<16xf32>
      %mul3A_381 = arith.mulf %gather3A_370, %gather3A_378 : vector<16xf32>
      %add3A_382 = arith.addf %add3A_366, %mul3A_381 : vector<16xf32>
      %add3A_383 = arith.constant 18 : i32
      %add3A_384 = vector.broadcast %add3A_383 : i32 to vector<16xi32>
      %add3A_385 = arith.addi %mul3A_72, %add3A_384 : vector<16xi32>
      %gather3A_386 = tpu.vector_load_idx %arg15[%add3A_64, %add3A_385] : memref<256x128xf32, #tpu.memory_space<vmem>>[vector<16xi32>, vector<16xi32>], vector<16xf32>,
      %add3A_387 = arith.constant 18 : i32
      %add3A_388 = vector.broadcast %add3A_387 : i32 to vector<16xi32>
      %add3A_389 = arith.addi %mul3A_82, %add3A_388 : vector<16xi32>
      %gather3A_390 = tpu.vector_load_idx %arg16[%add3A_64, %add3A_389] : memref<256x128xf32, #tpu.memory_space<vmem>>[vector<16xi32>, vector<16xi32>], vector<16xf32>,
      %add3A_391 = arith.constant 18 : i32
      %add3A_392 = vector.broadcast %add3A_391 : i32 to vector<16xi32>
      %add3A_393 = arith.addi %mul3A_92, %add3A_392 : vector<16xi32>
      %gather3A_394 = tpu.vector_load_idx %arg17[%add3A_64, %add3A_393] : memref<256x128xf32, #tpu.memory_space<vmem>>[vector<16xi32>, vector<16xi32>], vector<16xf32>,
      %mul3A_395 = arith.mulf %gather3A_386, %gather3A_390 : vector<16xf32>
      %add3A_396 = arith.addf %add3A_380, %mul3A_395 : vector<16xf32>
      %mul3A_397 = arith.mulf %gather3A_386, %gather3A_394 : vector<16xf32>
      %add3A_398 = arith.addf %add3A_382, %mul3A_397 : vector<16xf32>
      %add3A_399 = arith.constant 19 : i32
      %add3A_400 = vector.broadcast %add3A_399 : i32 to vector<16xi32>
      %add3A_401 = arith.addi %mul3A_72, %add3A_400 : vector<16xi32>
      %gather3A_402 = tpu.vector_load_idx %arg15[%add3A_64, %add3A_401] : memref<256x128xf32, #tpu.memory_space<vmem>>[vector<16xi32>, vector<16xi32>], vector<16xf32>,
      %add3A_403 = arith.constant 19 : i32
      %add3A_404 = vector.broadcast %add3A_403 : i32 to vector<16xi32>
      %add3A_405 = arith.addi %mul3A_82, %add3A_404 : vector<16xi32>
      %gather3A_406 = tpu.vector_load_idx %arg16[%add3A_64, %add3A_405] : memref<256x128xf32, #tpu.memory_space<vmem>>[vector<16xi32>, vector<16xi32>], vector<16xf32>,
      %add3A_407 = arith.constant 19 : i32
      %add3A_408 = vector.broadcast %add3A_407 : i32 to vector<16xi32>
      %add3A_409 = arith.addi %mul3A_92, %add3A_408 : vector<16xi32>
      %gather3A_410 = tpu.vector_load_idx %arg17[%add3A_64, %add3A_409] : memref<256x128xf32, #tpu.memory_space<vmem>>[vector<16xi32>, vector<16xi32>], vector<16xf32>,
      %mul3A_411 = arith.mulf %gather3A_402, %gather3A_406 : vector<16xf32>
      %add3A_412 = arith.addf %add3A_396, %mul3A_411 : vector<16xf32>
      %mul3A_413 = arith.mulf %gather3A_402, %gather3A_410 : vector<16xf32>
      %add3A_414 = arith.addf %add3A_398, %mul3A_413 : vector<16xf32>
      %add3A_415 = arith.constant 20 : i32
      %add3A_416 = vector.broadcast %add3A_415 : i32 to vector<16xi32>
      %add3A_417 = arith.addi %mul3A_72, %add3A_416 : vector<16xi32>
      %gather3A_418 = tpu.vector_load_idx %arg15[%add3A_64, %add3A_417] : memref<256x128xf32, #tpu.memory_space<vmem>>[vector<16xi32>, vector<16xi32>], vector<16xf32>,
      %add3A_419 = arith.constant 20 : i32
      %add3A_420 = vector.broadcast %add3A_419 : i32 to vector<16xi32>
      %add3A_421 = arith.addi %mul3A_82, %add3A_420 : vector<16xi32>
      %gather3A_422 = tpu.vector_load_idx %arg16[%add3A_64, %add3A_421] : memref<256x128xf32, #tpu.memory_space<vmem>>[vector<16xi32>, vector<16xi32>], vector<16xf32>,
      %add3A_423 = arith.constant 20 : i32
      %add3A_424 = vector.broadcast %add3A_423 : i32 to vector<16xi32>
      %add3A_425 = arith.addi %mul3A_92, %add3A_424 : vector<16xi32>
      %gather3A_426 = tpu.vector_load_idx %arg17[%add3A_64, %add3A_425] : memref<256x128xf32, #tpu.memory_space<vmem>>[vector<16xi32>, vector<16xi32>], vector<16xf32>,
      %mul3A_427 = arith.mulf %gather3A_418, %gather3A_422 : vector<16xf32>
      %add3A_428 = arith.addf %add3A_412, %mul3A_427 : vector<16xf32>
      %mul3A_429 = arith.mulf %gather3A_418, %gather3A_426 : vector<16xf32>
      %add3A_430 = arith.addf %add3A_414, %mul3A_429 : vector<16xf32>
      %add3A_431 = arith.constant 21 : i32
      %add3A_432 = vector.broadcast %add3A_431 : i32 to vector<16xi32>
      %add3A_433 = arith.addi %mul3A_72, %add3A_432 : vector<16xi32>
      %gather3A_434 = tpu.vector_load_idx %arg15[%add3A_64, %add3A_433] : memref<256x128xf32, #tpu.memory_space<vmem>>[vector<16xi32>, vector<16xi32>], vector<16xf32>,
      %add3A_435 = arith.constant 21 : i32
      %add3A_436 = vector.broadcast %add3A_435 : i32 to vector<16xi32>
      %add3A_437 = arith.addi %mul3A_82, %add3A_436 : vector<16xi32>
      %gather3A_438 = tpu.vector_load_idx %arg16[%add3A_64, %add3A_437] : memref<256x128xf32, #tpu.memory_space<vmem>>[vector<16xi32>, vector<16xi32>], vector<16xf32>,
      %add3A_439 = arith.constant 21 : i32
      %add3A_440 = vector.broadcast %add3A_439 : i32 to vector<16xi32>
      %add3A_441 = arith.addi %mul3A_92, %add3A_440 : vector<16xi32>
      %gather3A_442 = tpu.vector_load_idx %arg17[%add3A_64, %add3A_441] : memref<256x128xf32, #tpu.memory_space<vmem>>[vector<16xi32>, vector<16xi32>], vector<16xf32>,
      %mul3A_443 = arith.mulf %gather3A_434, %gather3A_438 : vector<16xf32>
      %add3A_444 = arith.addf %add3A_428, %mul3A_443 : vector<16xf32>
      %mul3A_445 = arith.mulf %gather3A_434, %gather3A_442 : vector<16xf32>
      %add3A_446 = arith.addf %add3A_430, %mul3A_445 : vector<16xf32>
      %add3A_447 = arith.constant 22 : i32
      %add3A_448 = vector.broadcast %add3A_447 : i32 to vector<16xi32>
      %add3A_449 = arith.addi %mul3A_72, %add3A_448 : vector<16xi32>
      %gather3A_450 = tpu.vector_load_idx %arg15[%add3A_64, %add3A_449] : memref<256x128xf32, #tpu.memory_space<vmem>>[vector<16xi32>, vector<16xi32>], vector<16xf32>,
      %add3A_451 = arith.constant 22 : i32
      %add3A_452 = vector.broadcast %add3A_451 : i32 to vector<16xi32>
      %add3A_453 = arith.addi %mul3A_82, %add3A_452 : vector<16xi32>
      %gather3A_454 = tpu.vector_load_idx %arg16[%add3A_64, %add3A_453] : memref<256x128xf32, #tpu.memory_space<vmem>>[vector<16xi32>, vector<16xi32>], vector<16xf32>,
      %add3A_455 = arith.constant 22 : i32
      %add3A_456 = vector.broadcast %add3A_455 : i32 to vector<16xi32>
      %add3A_457 = arith.addi %mul3A_92, %add3A_456 : vector<16xi32>
      %gather3A_458 = tpu.vector_load_idx %arg17[%add3A_64, %add3A_457] : memref<256x128xf32, #tpu.memory_space<vmem>>[vector<16xi32>, vector<16xi32>], vector<16xf32>,
      %mul3A_459 = arith.mulf %gather3A_450, %gather3A_454 : vector<16xf32>
      %add3A_460 = arith.addf %add3A_444, %mul3A_459 : vector<16xf32>
      %mul3A_461 = arith.mulf %gather3A_450, %gather3A_458 : vector<16xf32>
      %add3A_462 = arith.addf %add3A_446, %mul3A_461 : vector<16xf32>
      %add3A_463 = arith.constant 23 : i32
      %add3A_464 = vector.broadcast %add3A_463 : i32 to vector<16xi32>
      %add3A_465 = arith.addi %mul3A_72, %add3A_464 : vector<16xi32>
      %gather3A_466 = tpu.vector_load_idx %arg15[%add3A_64, %add3A_465] : memref<256x128xf32, #tpu.memory_space<vmem>>[vector<16xi32>, vector<16xi32>], vector<16xf32>,
      %add3A_467 = arith.constant 23 : i32
      %add3A_468 = vector.broadcast %add3A_467 : i32 to vector<16xi32>
      %add3A_469 = arith.addi %mul3A_82, %add3A_468 : vector<16xi32>
      %gather3A_470 = tpu.vector_load_idx %arg16[%add3A_64, %add3A_469] : memref<256x128xf32, #tpu.memory_space<vmem>>[vector<16xi32>, vector<16xi32>], vector<16xf32>,
      %add3A_471 = arith.constant 23 : i32
      %add3A_472 = vector.broadcast %add3A_471 : i32 to vector<16xi32>
      %add3A_473 = arith.addi %mul3A_92, %add3A_472 : vector<16xi32>
      %gather3A_474 = tpu.vector_load_idx %arg17[%add3A_64, %add3A_473] : memref<256x128xf32, #tpu.memory_space<vmem>>[vector<16xi32>, vector<16xi32>], vector<16xf32>,
      %mul3A_475 = arith.mulf %gather3A_466, %gather3A_470 : vector<16xf32>
      %add3A_476 = arith.addf %add3A_460, %mul3A_475 : vector<16xf32>
      %mul3A_477 = arith.mulf %gather3A_466, %gather3A_474 : vector<16xf32>
      %add3A_478 = arith.addf %add3A_462, %mul3A_477 : vector<16xf32>
      %add3A_479 = arith.constant 24 : i32
      %add3A_480 = vector.broadcast %add3A_479 : i32 to vector<16xi32>
      %add3A_481 = arith.addi %mul3A_72, %add3A_480 : vector<16xi32>
      %gather3A_482 = tpu.vector_load_idx %arg15[%add3A_64, %add3A_481] : memref<256x128xf32, #tpu.memory_space<vmem>>[vector<16xi32>, vector<16xi32>], vector<16xf32>,
      %add3A_483 = arith.constant 24 : i32
      %add3A_484 = vector.broadcast %add3A_483 : i32 to vector<16xi32>
      %add3A_485 = arith.addi %mul3A_82, %add3A_484 : vector<16xi32>
      %gather3A_486 = tpu.vector_load_idx %arg16[%add3A_64, %add3A_485] : memref<256x128xf32, #tpu.memory_space<vmem>>[vector<16xi32>, vector<16xi32>], vector<16xf32>,
      %add3A_487 = arith.constant 24 : i32
      %add3A_488 = vector.broadcast %add3A_487 : i32 to vector<16xi32>
      %add3A_489 = arith.addi %mul3A_92, %add3A_488 : vector<16xi32>
      %gather3A_490 = tpu.vector_load_idx %arg17[%add3A_64, %add3A_489] : memref<256x128xf32, #tpu.memory_space<vmem>>[vector<16xi32>, vector<16xi32>], vector<16xf32>,
      %mul3A_491 = arith.mulf %gather3A_482, %gather3A_486 : vector<16xf32>
      %add3A_492 = arith.addf %add3A_476, %mul3A_491 : vector<16xf32>
      %mul3A_493 = arith.mulf %gather3A_482, %gather3A_490 : vector<16xf32>
      %add3A_494 = arith.addf %add3A_478, %mul3A_493 : vector<16xf32>
      %add3A_495 = arith.constant 25 : i32
      %add3A_496 = vector.broadcast %add3A_495 : i32 to vector<16xi32>
      %add3A_497 = arith.addi %mul3A_72, %add3A_496 : vector<16xi32>
      %gather3A_498 = tpu.vector_load_idx %arg15[%add3A_64, %add3A_497] : memref<256x128xf32, #tpu.memory_space<vmem>>[vector<16xi32>, vector<16xi32>], vector<16xf32>,
      %add3A_499 = arith.constant 25 : i32
      %add3A_500 = vector.broadcast %add3A_499 : i32 to vector<16xi32>
      %add3A_501 = arith.addi %mul3A_82, %add3A_500 : vector<16xi32>
      %gather3A_502 = tpu.vector_load_idx %arg16[%add3A_64, %add3A_501] : memref<256x128xf32, #tpu.memory_space<vmem>>[vector<16xi32>, vector<16xi32>], vector<16xf32>,
      %add3A_503 = arith.constant 25 : i32
      %add3A_504 = vector.broadcast %add3A_503 : i32 to vector<16xi32>
      %add3A_505 = arith.addi %mul3A_92, %add3A_504 : vector<16xi32>
      %gather3A_506 = tpu.vector_load_idx %arg17[%add3A_64, %add3A_505] : memref<256x128xf32, #tpu.memory_space<vmem>>[vector<16xi32>, vector<16xi32>], vector<16xf32>,
      %mul3A_507 = arith.mulf %gather3A_498, %gather3A_502 : vector<16xf32>
      %add3A_508 = arith.addf %add3A_492, %mul3A_507 : vector<16xf32>
      %mul3A_509 = arith.mulf %gather3A_498, %gather3A_506 : vector<16xf32>
      %add3A_510 = arith.addf %add3A_494, %mul3A_509 : vector<16xf32>
      %add3A_511 = arith.constant 26 : i32
      %add3A_512 = vector.broadcast %add3A_511 : i32 to vector<16xi32>
      %add3A_513 = arith.addi %mul3A_72, %add3A_512 : vector<16xi32>
      %gather3A_514 = tpu.vector_load_idx %arg15[%add3A_64, %add3A_513] : memref<256x128xf32, #tpu.memory_space<vmem>>[vector<16xi32>, vector<16xi32>], vector<16xf32>,
      %add3A_515 = arith.constant 26 : i32
      %add3A_516 = vector.broadcast %add3A_515 : i32 to vector<16xi32>
      %add3A_517 = arith.addi %mul3A_82, %add3A_516 : vector<16xi32>
      %gather3A_518 = tpu.vector_load_idx %arg16[%add3A_64, %add3A_517] : memref<256x128xf32, #tpu.memory_space<vmem>>[vector<16xi32>, vector<16xi32>], vector<16xf32>,
      %add3A_519 = arith.constant 26 : i32
      %add3A_520 = vector.broadcast %add3A_519 : i32 to vector<16xi32>
      %add3A_521 = arith.addi %mul3A_92, %add3A_520 : vector<16xi32>
      %gather3A_522 = tpu.vector_load_idx %arg17[%add3A_64, %add3A_521] : memref<256x128xf32, #tpu.memory_space<vmem>>[vector<16xi32>, vector<16xi32>], vector<16xf32>,
      %mul3A_523 = arith.mulf %gather3A_514, %gather3A_518 : vector<16xf32>
      %add3A_524 = arith.addf %add3A_508, %mul3A_523 : vector<16xf32>
      %mul3A_525 = arith.mulf %gather3A_514, %gather3A_522 : vector<16xf32>
      %add3A_526 = arith.addf %add3A_510, %mul3A_525 : vector<16xf32>
      %add3A_527 = arith.constant 27 : i32
      %add3A_528 = vector.broadcast %add3A_527 : i32 to vector<16xi32>
      %add3A_529 = arith.addi %mul3A_72, %add3A_528 : vector<16xi32>
      %gather3A_530 = tpu.vector_load_idx %arg15[%add3A_64, %add3A_529] : memref<256x128xf32, #tpu.memory_space<vmem>>[vector<16xi32>, vector<16xi32>], vector<16xf32>,
      %add3A_531 = arith.constant 27 : i32
      %add3A_532 = vector.broadcast %add3A_531 : i32 to vector<16xi32>
      %add3A_533 = arith.addi %mul3A_82, %add3A_532 : vector<16xi32>
      %gather3A_534 = tpu.vector_load_idx %arg16[%add3A_64, %add3A_533] : memref<256x128xf32, #tpu.memory_space<vmem>>[vector<16xi32>, vector<16xi32>], vector<16xf32>,
      %add3A_535 = arith.constant 27 : i32
      %add3A_536 = vector.broadcast %add3A_535 : i32 to vector<16xi32>
      %add3A_537 = arith.addi %mul3A_92, %add3A_536 : vector<16xi32>
      %gather3A_538 = tpu.vector_load_idx %arg17[%add3A_64, %add3A_537] : memref<256x128xf32, #tpu.memory_space<vmem>>[vector<16xi32>, vector<16xi32>], vector<16xf32>,
      %mul3A_539 = arith.mulf %gather3A_530, %gather3A_534 : vector<16xf32>
      %add3A_540 = arith.addf %add3A_524, %mul3A_539 : vector<16xf32>
      %mul3A_541 = arith.mulf %gather3A_530, %gather3A_538 : vector<16xf32>
      %add3A_542 = arith.addf %add3A_526, %mul3A_541 : vector<16xf32>
      %add3A_543 = arith.constant 28 : i32
      %add3A_544 = vector.broadcast %add3A_543 : i32 to vector<16xi32>
      %add3A_545 = arith.addi %mul3A_72, %add3A_544 : vector<16xi32>
      %gather3A_546 = tpu.vector_load_idx %arg15[%add3A_64, %add3A_545] : memref<256x128xf32, #tpu.memory_space<vmem>>[vector<16xi32>, vector<16xi32>], vector<16xf32>,
      %add3A_547 = arith.constant 28 : i32
      %add3A_548 = vector.broadcast %add3A_547 : i32 to vector<16xi32>
      %add3A_549 = arith.addi %mul3A_82, %add3A_548 : vector<16xi32>
      %gather3A_550 = tpu.vector_load_idx %arg16[%add3A_64, %add3A_549] : memref<256x128xf32, #tpu.memory_space<vmem>>[vector<16xi32>, vector<16xi32>], vector<16xf32>,
      %add3A_551 = arith.constant 28 : i32
      %add3A_552 = vector.broadcast %add3A_551 : i32 to vector<16xi32>
      %add3A_553 = arith.addi %mul3A_92, %add3A_552 : vector<16xi32>
      %gather3A_554 = tpu.vector_load_idx %arg17[%add3A_64, %add3A_553] : memref<256x128xf32, #tpu.memory_space<vmem>>[vector<16xi32>, vector<16xi32>], vector<16xf32>,
      %mul3A_555 = arith.mulf %gather3A_546, %gather3A_550 : vector<16xf32>
      %add3A_556 = arith.addf %add3A_540, %mul3A_555 : vector<16xf32>
      %mul3A_557 = arith.mulf %gather3A_546, %gather3A_554 : vector<16xf32>
      %add3A_558 = arith.addf %add3A_542, %mul3A_557 : vector<16xf32>
      %add3A_559 = arith.constant 29 : i32
      %add3A_560 = vector.broadcast %add3A_559 : i32 to vector<16xi32>
      %add3A_561 = arith.addi %mul3A_72, %add3A_560 : vector<16xi32>
      %gather3A_562 = tpu.vector_load_idx %arg15[%add3A_64, %add3A_561] : memref<256x128xf32, #tpu.memory_space<vmem>>[vector<16xi32>, vector<16xi32>], vector<16xf32>,
      %add3A_563 = arith.constant 29 : i32
      %add3A_564 = vector.broadcast %add3A_563 : i32 to vector<16xi32>
      %add3A_565 = arith.addi %mul3A_82, %add3A_564 : vector<16xi32>
      %gather3A_566 = tpu.vector_load_idx %arg16[%add3A_64, %add3A_565] : memref<256x128xf32, #tpu.memory_space<vmem>>[vector<16xi32>, vector<16xi32>], vector<16xf32>,
      %add3A_567 = arith.constant 29 : i32
      %add3A_568 = vector.broadcast %add3A_567 : i32 to vector<16xi32>
      %add3A_569 = arith.addi %mul3A_92, %add3A_568 : vector<16xi32>
      %gather3A_570 = tpu.vector_load_idx %arg17[%add3A_64, %add3A_569] : memref<256x128xf32, #tpu.memory_space<vmem>>[vector<16xi32>, vector<16xi32>], vector<16xf32>,
      %mul3A_571 = arith.mulf %gather3A_562, %gather3A_566 : vector<16xf32>
      %add3A_572 = arith.addf %add3A_556, %mul3A_571 : vector<16xf32>
      %mul3A_573 = arith.mulf %gather3A_562, %gather3A_570 : vector<16xf32>
      %add3A_574 = arith.addf %add3A_558, %mul3A_573 : vector<16xf32>
      %add3A_575 = arith.constant 30 : i32
      %add3A_576 = vector.broadcast %add3A_575 : i32 to vector<16xi32>
      %add3A_577 = arith.addi %mul3A_72, %add3A_576 : vector<16xi32>
      %gather3A_578 = tpu.vector_load_idx %arg15[%add3A_64, %add3A_577] : memref<256x128xf32, #tpu.memory_space<vmem>>[vector<16xi32>, vector<16xi32>], vector<16xf32>,
      %add3A_579 = arith.constant 30 : i32
      %add3A_580 = vector.broadcast %add3A_579 : i32 to vector<16xi32>
      %add3A_581 = arith.addi %mul3A_82, %add3A_580 : vector<16xi32>
      %gather3A_582 = tpu.vector_load_idx %arg16[%add3A_64, %add3A_581] : memref<256x128xf32, #tpu.memory_space<vmem>>[vector<16xi32>, vector<16xi32>], vector<16xf32>,
      %add3A_583 = arith.constant 30 : i32
      %add3A_584 = vector.broadcast %add3A_583 : i32 to vector<16xi32>
      %add3A_585 = arith.addi %mul3A_92, %add3A_584 : vector<16xi32>
      %gather3A_586 = tpu.vector_load_idx %arg17[%add3A_64, %add3A_585] : memref<256x128xf32, #tpu.memory_space<vmem>>[vector<16xi32>, vector<16xi32>], vector<16xf32>,
      %mul3A_587 = arith.mulf %gather3A_578, %gather3A_582 : vector<16xf32>
      %add3A_588 = arith.addf %add3A_572, %mul3A_587 : vector<16xf32>
      %mul3A_589 = arith.mulf %gather3A_578, %gather3A_586 : vector<16xf32>
      %add3A_590 = arith.addf %add3A_574, %mul3A_589 : vector<16xf32>
      %add3A_591 = arith.constant 31 : i32
      %add3A_592 = vector.broadcast %add3A_591 : i32 to vector<16xi32>
      %add3A_593 = arith.addi %mul3A_72, %add3A_592 : vector<16xi32>
      %gather3A_594 = tpu.vector_load_idx %arg15[%add3A_64, %add3A_593] : memref<256x128xf32, #tpu.memory_space<vmem>>[vector<16xi32>, vector<16xi32>], vector<16xf32>,
      %add3A_595 = arith.constant 31 : i32
      %add3A_596 = vector.broadcast %add3A_595 : i32 to vector<16xi32>
      %add3A_597 = arith.addi %mul3A_82, %add3A_596 : vector<16xi32>
      %gather3A_598 = tpu.vector_load_idx %arg16[%add3A_64, %add3A_597] : memref<256x128xf32, #tpu.memory_space<vmem>>[vector<16xi32>, vector<16xi32>], vector<16xf32>,
      %add3A_599 = arith.constant 31 : i32
      %add3A_600 = vector.broadcast %add3A_599 : i32 to vector<16xi32>
      %add3A_601 = arith.addi %mul3A_92, %add3A_600 : vector<16xi32>
      %gather3A_602 = tpu.vector_load_idx %arg17[%add3A_64, %add3A_601] : memref<256x128xf32, #tpu.memory_space<vmem>>[vector<16xi32>, vector<16xi32>], vector<16xf32>,
      %mul3A_603 = arith.mulf %gather3A_594, %gather3A_598 : vector<16xf32>
      %add3A_604 = arith.addf %add3A_588, %mul3A_603 : vector<16xf32>
      %mul3A_605 = arith.mulf %gather3A_594, %gather3A_602 : vector<16xf32>
      %add3A_606 = arith.addf %add3A_590, %mul3A_605 : vector<16xf32>
      %add3A_607 = arith.constant 256 : i32
      %add3A_608 = arith.addi %add3A_607, %mul3A_62 : i32
      %swap3A = arith.index_cast %add3A_608 : i32 to index
      %swap3A_609 = tpu.vector_load %arg18[%swap3A] {strides = array<i32>} : memref<512xf32, #tpu.memory_space<vmem>>, vector<16xf32>,
      tpu.vector_store %arg18[%swap3A], %add3A_604 {strides = array<i32>} : memref<512xf32, #tpu.memory_space<vmem>>, vector<16xf32>,
      %add3A_610 = arith.constant 256 : i32
      %add3A_611 = arith.addi %add3A_610, %mul3A_62 : i32
      %swap3A_612 = arith.index_cast %add3A_611 : i32 to index
      %swap3A_613 = tpu.vector_load %arg19[%swap3A_612] {strides = array<i32>} : memref<512xf32, #tpu.memory_space<vmem>>, vector<16xf32>,
      tpu.vector_store %arg19[%swap3A_612], %add3A_606 {strides = array<i32>} : memref<512xf32, #tpu.memory_space<vmem>>, vector<16xf32>,
    }
    %scan3A_59 = arith.constant 16 : i32
    "tpu.region"() ({
      %run_scoped3A = tpu.sem_alloc : memref<!tpu.dma_semaphore, #tpu.memory_space<semaphore_mem>>
      %dma_start3A_60 = tpu.memref_slice %arg7[%mul3A_2] : memref<16384xf32, #tpu.memory_space<hbm>> -> memref<512xf32, #tpu.memory_space<hbm>>
      %dma_start3A_61 = tpu.memref_slice %arg7[%mul3A_2] : memref<16384xf32, #tpu.memory_space<hbm>> -> memref<512xf32, #tpu.memory_space<hbm>>
      tpu.enqueue_dma source(%arg18 : memref<512xf32, #tpu.memory_space<vmem>>) target(%dma_start3A_61 : memref<512xf32, #tpu.memory_space<hbm>>) target_semaphore(%run_scoped3A : memref<!tpu.dma_semaphore, #tpu.memory_space<semaphore_mem>>)
      %dma_wait3A_62 = tpu.memref_slice %arg7[%mul3A_2] : memref<16384xf32, #tpu.memory_space<hbm>> -> memref<512xf32, #tpu.memory_space<hbm>>
      %dma_wait3A_63 = tpu.memref_slice %arg7[%mul3A_2] : memref<16384xf32, #tpu.memory_space<hbm>> -> memref<512xf32, #tpu.memory_space<hbm>>
      tpu.wait_dma2 semaphore(%run_scoped3A : memref<!tpu.dma_semaphore, #tpu.memory_space<semaphore_mem>>) src(%arg18 : memref<512xf32, #tpu.memory_space<vmem>>) dst(%dma_wait3A_63 : memref<512xf32, #tpu.memory_space<hbm>>)
      tpu.yield
    }) : () -> ()
    "tpu.region"() ({
      %run_scoped3A = tpu.sem_alloc : memref<!tpu.dma_semaphore, #tpu.memory_space<semaphore_mem>>
      %dma_start3A_60 = tpu.memref_slice %arg8[%mul3A_2] : memref<16384xf32, #tpu.memory_space<hbm>> -> memref<512xf32, #tpu.memory_space<hbm>>
      %dma_start3A_61 = tpu.memref_slice %arg8[%mul3A_2] : memref<16384xf32, #tpu.memory_space<hbm>> -> memref<512xf32, #tpu.memory_space<hbm>>
      tpu.enqueue_dma source(%arg19 : memref<512xf32, #tpu.memory_space<vmem>>) target(%dma_start3A_61 : memref<512xf32, #tpu.memory_space<hbm>>) target_semaphore(%run_scoped3A : memref<!tpu.dma_semaphore, #tpu.memory_space<semaphore_mem>>)
      %dma_wait3A_62 = tpu.memref_slice %arg8[%mul3A_2] : memref<16384xf32, #tpu.memory_space<hbm>> -> memref<512xf32, #tpu.memory_space<hbm>>
      %dma_wait3A_63 = tpu.memref_slice %arg8[%mul3A_2] : memref<16384xf32, #tpu.memory_space<hbm>> -> memref<512xf32, #tpu.memory_space<hbm>>
      tpu.wait_dma2 semaphore(%run_scoped3A : memref<!tpu.dma_semaphore, #tpu.memory_space<semaphore_mem>>) src(%arg19 : memref<512xf32, #tpu.memory_space<vmem>>) dst(%dma_wait3A_63 : memref<512xf32, #tpu.memory_space<hbm>>)
      tpu.yield
    }) : () -> ()
    return
  }
}

</mosaic_0001>

<sc_bundles>
// kernel: kernel.3.cloned.1.call-start
scs
__scs_entry_jumppad:
0x0: {  	(pc) =	sbr.rel $0x88, $3  }
0x1: {  	(tag) =	ssettag $0x0;
	lr =	simm.s32 $0x1  }
0x2: {  	[smem:$0x3F9C] =	sst lr;
	_ =	strace $0xD0000000  }
0x3: {  	_ = 	snop  }
0x4: {  	_ = 	snop  }
0x5: {  	_ = 	snop  }
0x6: {  	_ = 	snop  }
0x7: {  	_ = 	snop  }
__scs_overlays_trampoline_lowered:
0x8: {  	[smem:$0x3FAB] =	sst s0  }
0x9: {  	[smem:$0x3FAC] =	sst s1  }
0xa: {  	[smem:$0x3FAD] =	sst s2  }
0xb: {  	[smem:$0x3FAE] =	sst s3  }
0xc: {  	[smem:$0x3FAF] =	sst s4  }
0xd: {  	[smem:$0x3FB0] =	sst s5  }
0xe: {  	[smem:$0x3FB1] =	sst s6  }
0xf: {  	[smem:$0x3FB2] =	sst s7  }
0x10: {  	[smem:$0x3FB3] =	sst s8  }
0x11: {  	[smem:$0x3FB4] =	sst s9;
	s0 =	simm.s32 @!p0 $0x0  }
0x12: {  	s1 =	sld [smem:$0x3F9A];
	s0 =	simm.s32 @p0 $0x1  }
0x13: {  	[smem:$0x3FB5] =	sst s0;
	s0 =	simm.s32 @!p1 $0x0  }
0x14: {  	s2 =	sld [smem:$0x3F99];
	s0 =	simm.s32 @p1 $0x1  }
0x15: {  	[smem:$0x3FB6] =	sst s0;
	s0 =	simm.s32 @!p2 $0x0  }
0x16: {  	s3 =	sld [smem:$0x3FDB];
	s0 =	simm.s32 @p2 $0x1  }
0x17: {  	s4 =	simm.s32 $0x1BF5;
	[smem:$0x3FB8] =	sst s0  }
0x18: {  	s0 =	sld [smem:$0x3F9B];
	_ =	swait.ge [sflag:s4], $0x0  }
0x19: {  	s7 =	sld [smem:$0x3F9C]  }
0x1a: {  	s8 =	sadd.s32 $0xFFFFE003, lr  }
0x1b: {  	s9 =	sadd.s32 $0xFFFFFEF7, lr;
	s5 =	simm.s32 $0xFFFFFFFF;
	p2 =	slt.u32 s8, $0xFFFFF086  }
0x1c: {  	p1 =	slt.u32 s9, $0xF7A;
	s5 =	simm.s32 @!p2 $0x0  }
0x1d: {  	s5 =	simm.s32 @p1 $0x1;
	p0 =	seq.s32 s7, s2  }
0x1e: {  	s7 =	smul.u32 @!p0 $0xF7A, s2;
	p2 =	seq.s32 @!p0 s5, $0x0  }
0x1f: {  	s9 =	smul.u32 $0xF7A, s1;
	s8 =	simm.s32 @!p0 $0x1BF5;
	p2 =	por !p2, p0  }
0x20: {  	[sflag:s8] =	ssyncset.s32 @!p0 $0xFFFFF086;
	s6 =	sadd.s32 @!p0 s3, s7;
	s7 =	simm.s32 @!p0 $0x108  }
0x21: {  	s3 =	sadd.s32 s3, s9;
	s6 =	sadd.s32 @!p0 $0x88, s6;
	s7 =	simm.s32 @p2 $0x1082  }
0x22: {  	[simem:s7], [sflag:s8] =	dma.local @!p0 [hbm:s6], $0xF7A  }
0x23: {  	s9 =	sor.u32 $0xD0000000, s2;
	s6 =	simm.s32 $0x108;
	_ =	swait.ge @!p0 [sflag:s8], $0x0  }
0x24: {  	s3 =	sadd.s32 $0x88, s3;
	s6 =	simm.s32 @!p1 $0x1082;
	[sflag:s4] =	ssyncset.s32 $0xFFFFF086  }
0x25: {  	[simem:s6], [sflag:s4] =	dma.local [hbm:s3], $0xF7A  }
0x26: {  	[smem:$0x3F9C] =	sst s1;
	(tag) =	ssettag s2;
	_ =	strace s9  }
0x27: {  	s1 =	sld [smem:$0x3FAC]  }
0x28: {  	s2 =	sld [smem:$0x3FAD]  }
0x29: {  	s4 =	sld [smem:$0x3FAF]  }
0x2a: {  	p0 =	seq.s32 s5, $0x0;
	s5 =	sld [smem:$0x3FB0]  }
0x2b: {  	s6 =	sld [smem:$0x3FB1]  }
0x2c: {  	s7 =	sld [smem:$0x3FB2]  }
0x2d: {  	s3 =	simm.s32 $0x108;
	s8 =	sld [smem:$0x3FB3]  }
0x2e: {  	s3 =	simm.s32 @!p0 $0x1082;
	s9 =	sld [smem:$0x3FB4]  }
0x2f: {  	lr =	sadd.s32 s0, s3;
	s0 =	sld [smem:$0x3FAB]  }
0x30: {  	s3 =	sld [smem:$0x3FAE]  }
0x31: {  	[smem:$0x3FB7] =	sst s10  }
0x32: {  	s10 =	sld [smem:$0x3FB5];
	_ =	sdelay $0x3  }
0x33: {  	p0 =	seq.s32 s10, $0x1;
	s10 =	sld [smem:$0x3FB7];
	_ =	sdelay $0x3  }
0x34: {  	[smem:$0x3FB7] =	sst s10  }
0x35: {  	s10 =	sld [smem:$0x3FB6];
	_ =	sdelay $0x3  }
0x36: {  	p1 =	seq.s32 s10, $0x1;
	s10 =	sld [smem:$0x3FB7];
	_ =	sdelay $0x3  }
0x37: {  	[smem:$0x3FB7] =	sst s10  }
0x38: {  	s10 =	sld [smem:$0x3FB8]  }
0x39: {  	_ = 	snop;
	(pc) =	sbr.ind lr, $3  }
0x3a: {  	_ = 	snop  }
0x3b: {  	_ = 	snop  }
0x3c: {  	p2 =	seq.s32 s10, $0x1;
	s10 =	sld [smem:$0x3FB7]  }
0x3d: {  	_ =	shalt  }
0x3e: {  	_ =	shalt  }
0x3f: {  	_ =	shalt  }
0x40: {  	_ =	shalt  }
0x41: {  	_ =	shalt  }
0x42: {  	_ =	shalt  }
0x43: {  	_ =	shalt  }
0x44: {  	_ =	shalt  }
0x45: {  	_ =	shalt  }
0x46: {  	_ =	shalt  }
0x47: {  	_ =	shalt  }
0x48: {  	_ =	shalt  }
0x49: {  	_ =	shalt  }
0x4a: {  	_ =	shalt  }
0x4b: {  	_ =	shalt  }
0x4c: {  	_ =	shalt  }
0x4d: {  	_ =	shalt  }
0x4e: {  	_ =	shalt  }
0x4f: {  	_ =	shalt  }
0x50: {  	_ =	shalt  }
0x51: {  	_ =	shalt  }
0x52: {  	_ =	shalt  }
0x53: {  	_ =	shalt  }
0x54: {  	_ =	shalt  }
0x55: {  	_ =	shalt  }
0x56: {  	_ =	shalt  }
0x57: {  	_ =	shalt  }
0x58: {  	_ =	shalt  }
0x59: {  	_ =	shalt  }
0x5a: {  	_ =	shalt  }
0x5b: {  	_ =	shalt  }
0x5c: {  	_ =	shalt  }
0x5d: {  	_ =	shalt  }
0x5e: {  	_ =	shalt  }
0x5f: {  	_ =	shalt  }
0x60: {  	_ =	shalt  }
0x61: {  	_ =	shalt  }
0x62: {  	_ =	shalt  }
0x63: {  	_ =	shalt  }
0x64: {  	_ =	shalt  }
0x65: {  	_ =	shalt  }
0x66: {  	_ =	shalt  }
0x67: {  	_ =	shalt  }
0x68: {  	_ =	shalt  }
0x69: {  	_ =	shalt  }
0x6a: {  	_ =	shalt  }
0x6b: {  	_ =	shalt  }
0x6c: {  	_ =	shalt  }
0x6d: {  	_ =	shalt  }
0x6e: {  	_ =	shalt  }
0x6f: {  	_ =	shalt  }
0x70: {  	_ =	shalt  }
0x71: {  	_ =	shalt  }
0x72: {  	_ =	shalt  }
0x73: {  	_ =	shalt  }
0x74: {  	_ =	shalt  }
0x75: {  	_ =	shalt  }
0x76: {  	_ =	shalt  }
0x77: {  	_ =	shalt  }
0x78: {  	_ =	shalt  }
0x79: {  	_ =	shalt  }
0x7a: {  	_ =	shalt  }
0x7b: {  	_ =	shalt  }
0x7c: {  	_ =	shalt  }
0x7d: {  	_ =	shalt  }
0x7e: {  	_ =	shalt  }
0x7f: {  	_ =	shalt  }
0x80: {  	_ =	shalt  }
0x81: {  	_ =	shalt  }
0x82: {  	_ =	shalt  }
0x83: {  	_ =	shalt  }
0x84: {  	_ =	shalt  }
0x85: {  	_ =	shalt  }
0x86: {  	_ =	shalt  }
0x87: {  	_ =	shalt  }
.Lfunc_end0:
.L_simem_size_0:
called_computation_lowered:
.L_overlay_start_0:
0x88: {  	s2 =	sld [smem:$0x3FD9]  }
0x89: {  	s3 =	sld [smem:$0x3FFE];
	_ =	sdelay $0x1  }
0x8a: {  	s1 =	srdreg.scid  }
0x8b: {  	s0 =	sand.u32 $0x1, s1  }
0x8c: {  	s14 =	sshll.u32 s0, $0xA;
	s2 =	sadd.s32 s3, s2  }
0x8d: {  	s2 =	sadd.s32 s2, s14  }
0x8e: {  	[smem:$0x3FC3] =	sst s2  }
0x8f: {  	_ = 	snop  }
0x90: {  	s2 =	sld [smem:$0x3FD0]  }
0x91: {  	s15 =	sld [smem:$0x3FC9]  }
0x92: {  	s4 =	sld [smem:$0x3FC8]  }
0x93: {  	s6 =	simm.s32 $0xA;
	s7 =	simm.s32 $0x10;
	s5 =	sld [smem:$0x3FC7]  }
0x94: {  	[smem:s7], [sflag:s6] =	dma.local [hbm:s2], $0x1  }
0x95: {  	_ =	swait.eq [sflag:s6], $0x1  }
0x96: {  	[sflag:s6] =	ssyncset.done $0x0  }
0x97: {  	s16 =	sld [smem:$0x10];
	[sflag:s6] =	ssyncadd.s32 $0xFFFFFFFF  }
0x98: {  	s17 =	sld [smem:$0x11];
	(tm) =	ssettm $0x1  }
0x99: {  	s18 =	sld [smem:$0x3FFB];
	_ =	sdelay $0x3  }
0x9a: {  	_ =	strace s18  }
0x9b: {  	s7 =	sld [smem:$0x3FFC];
	_ =	sdelay $0x3  }
0x9c: {  	_ =	strace s7  }
0x9d: {  	s7 =	sld [smem:$0x3FFD];
	_ =	sdelay $0x3  }
0x9e: {  	_ =	strace s7  }
0x9f: {  	_ =	strace $0x8FFFFFFF  }
0xa0: {  	s19 =	sld [smem:$0x3FDB];
	_ =	sdelay $0x1  }
0xa1: {  	s8 =	simm.s32 $_scs_section_size  }
0xa2: {  	s9 =	simm.s32 $_size__tile_overlayer_lowered;
	s10 =	simm.s32 $_tile_overlayer_lowered  }
0xa3: {  	s22 =	simm.s32 $0x1BFF;
	s21 =	sshll.u32 s10, $0x1;
	s7 =	sadd.s32 s8, s19  }
0xa4: {  	s11 =	simm.s32 $0x0;
	s20 =	sshll.u32 s9, $0x1;
	s9 =	sadd.s32 s21, s7  }
0xa5: {  	[timem:s11], [sflag:s22] =	dma.local [hbm:s9], s20  }
0xa6: {  	_ =	swait.ge [sflag:s22], s20  }
0xa7: {  	s8 =	ssub.s32 $0x0, s20;
	[sflag:s22] =	ssyncset.done $0x0  }
0xa8: {  	[sflag:s22] =	ssyncadd.s32 s8;
	_ =	sdelay $0x1  }
0xa9: {  	s23 =	simm.s32 $0x1B8B  }
0xaa: {  	_ =	swait.ge [sflag:s23], $0x1  }
0xab: {  	[sflag:s23] =	ssyncset.done $0x0  }
0xac: {  	s25 =	simm.s32 $0x1B8E;
	s24 =	sld [smem:$0x3FFE];
	[sflag:s23] =	ssyncadd.s32 $0xFFFFFFFF  }
0xad: {  	s26 =	simm.s32 $execute0_lowered;
	[smem:$0x3FD2] =	sst s25  }
0xae: {  	s9 =	sshll.u32 s26, $0x1;
	_ =	strace $0x80000046;
	[dreg:$0x1] =	wrdreg $0xFFFFFFFF  }
0xaf: {  	s28 =	simm.s32 $_size_execute0_lowered;
	s7 =	sadd.s32 s7, s9;
	[dreg:$0x0] =	wrdreg $0x0  }
0xb0: {  	s9 =	sshll.u32 s28, $0x1;
	[dreg:$0x2] =	wrdreg s7  }
0xb1: {  	[dreg:$0x3] =	wrdreg s9  }
0xb2: {  	[dreg:$0x4] =	wrdreg $0xC0  }
0xb3: {  	_ =	task [dreg:s11], $0x5FFFF  }
0xb4: {  	[dreg:$0x1] =	wrdreg $0xFFFFFFFF  }
0xb5: {  	[dreg:$0x0] =	wrdreg $0x60  }
0xb6: {  	[dreg:$0x2] =	wrdreg s15  }
0xb7: {  	[dreg:$0x3] =	wrdreg s4  }
0xb8: {  	[dreg:$0x4] =	wrdreg s5  }
0xb9: {  	[dreg:$0x5] =	wrdreg s24  }
0xba: {  	[dreg:$0x6] =	wrdreg s16  }
0xbb: {  	[dreg:$0x7] =	wrdreg s17  }
0xbc: {  	[dreg:$0x8] =	wrdreg $0x9  }
0xbd: {  	_ =	task.clear_ibuf [dreg:s11], $0x9FFFF;
	_ =	strace $0x90000046  }
0xbe: {  	s29 =	simm.s32 $0x9;
	_ =	strace $0x80000048  }
0xbf: {  	_ =	swait.ge [sflag:s29], $0x1  }
0xc0: {  	[sflag:s29] =	ssyncadd.s32 $0xFFFFFFFF  }
0xc1: {  	_ =	strace $0x90000048  }
0xc2: {  	_ =	sfence  }
0xc3: {  	s30 =	sld [smem:$0x0];
	_ =	sdelay $0x2  }
0xc4: {  	s31 =	sshll.u32 s1, $0xD;
	s1 =	sshrl.u32 s1, $0x2  }
0xc5: {  	s3 =	sand.u32 $0x4000, s31;
	s1 =	sadd.s32 s1, s30  }
0xc6: {  	s0 =	sor.u32 s3, s0;
	s1 =	sshll.u32 s1, $0x11  }
0xc7: {  	s0 =	sor.u32 s1, s0  }
0xc8: {  	s0 =	sadd.s32 $0x8F2B, s0  }
0xc9: {  	[sflag:s0] =	ssyncadd.remote.s32 $0x1  }
0xca: {  	_ =	sfence.sel $0xFFFF  }
0xcb: {  	[dreg:$0x0] =	wrdreg $0xFFFFFFFF;
	(pc) =	sbr.abs _section_cstart, $3  }
0xcc: {  	[dreg:$0x1] =	wrdreg $0xFFFFFFFF  }
0xcd: {  	_ =	task.clear_ibuf [dreg:s11], $0x2FFFF;
	_ =	strace $0x9FFFFFFF  }
0xce: {  	(tm) =	ssettm $0x7FFFFFFF  }
0xcf: {  	_ =	shalt  }
tec
execute0_lowered:
.L_overlay_start_1:
0x0: {  	(tag) =	ssettag $0x1  }
0x1: {  	s5 =	rddreg [dreg:$0x0]  }
0x2: {  	s6 =	rddreg [dreg:$0x1]  }
0x3: {  	s7 =	rddreg [dreg:$0x2]  }
0x4: {  	s4 =	rddreg [dreg:$0x3]  }
0x5: {  	s8 =	rddreg [dreg:$0x4]  }
0x6: {  	s9 =	rddreg [dreg:$0x5]  }
0x7: {  	s0 =	rddreg [dreg:$0x6];
	s1 =	simm.s32 $0x0  }
0x8: {  	s10 =	srdreg.scid;
	s2 =	stileid.u32;
	s14 =	simm.s32 $0x100  }
0x9: {  	s15 =	simm.s32 $0x600;
	s16 =	simm.s32 $0x900;
	s17 =	simm.s32 $0x700  }
0xa: {  	s18 =	simm.s32 $0x8900;
	s19 =	simm.s32 $0x800;
	s20 =	simm.s32 $0x10900  }
0xb: {  	s21 =	simm.s32 $0x1;
	s22 =	simm.s32 $0x18900;
	s23 =	simm.s32 $0x18B00  }
0xc: {  	s24 =	simm.s32 $0x0;
	[smem:$0x7FF] =	sst s1;
	s3 =	sadd.s32 $0xF42A00, s4  }
0xd: {  	s10 =	sand.u32 $0x1, s10;
	s12 =	sshll.u32 s2, $0x7;
	s4 =	sadd.s32 $0x1313400, s4  }
0xe: {  	_ =	strace $0x80000047;
	s11 =	ssub.s32 $0x2, s10;
	s10 =	sshll.u32 s10, $0x6  }
0xf: {  	s13 =	sshrl.u32 s11, $0x1;
	s10 =	sor.u32 s10, s12;
	s12 =	simm.s32 $0x200  }
0x10: {  	s11 =	ssub.s32 s11, s13;
	s5 =	sadd.s32 s5, s10;
	s6 =	sadd.s32 s6, s10  }
0x11: {  	v0 =	vlaneseq.u32;
	s7 =	sadd.s32 s7, s10;
	s8 =	sadd.s32 s8, s10;
	s9 =	sadd.s32 s9, s10  }
0x12: {  	v0 =	vmul.u32 $0x80, v0;
	s13 =	simm.s32 $0x400;
	s10 =	smax.u32 s11, $0x1;
	s11 =	simm.s32 $0x2  }
.LBB2_1:
0x13: {  	[tilespmem:s1], [sflag:$0x2] =	stream.linear.gather [hbm4b:s5+s1], $0x200, $0x38;
	[tilespmem:$0x18D00] =	vst v63  }
0x14: {  	_ =	swait.ge [sflag:s11], $0x200  }
0x15: {  	[sflag:s11] =	ssyncset.done $0x0  }
0x16: {  	[sflag:s11] =	ssyncadd.s32 $0xFFFFFE00  }
0x17: {  	[tilespmem:s12], [sflag:$0x2] =	stream.linear.gather [hbm4b:s6+s1], $0x200, $0x38;
	[tilespmem:$0x18D00] =	vst v63  }
0x18: {  	_ =	swait.ge [sflag:s11], $0x200  }
0x19: {  	[sflag:s11] =	ssyncset.done $0x0  }
0x1a: {  	[sflag:s11] =	ssyncadd.s32 $0xFFFFFE00  }
0x1b: {  	[tilespmem:s13], [sflag:$0x2] =	stream.linear.gather [hbm4b:s7+s1], $0x200, $0x38;
	[tilespmem:$0x18D00] =	vst v63  }
0x1c: {  	_ =	swait.ge [sflag:s11], $0x200  }
0x1d: {  	[sflag:s11] =	ssyncset.done $0x0  }
0x1e: {  	s25 =	simm.s32 $0x0;
	[sflag:s11] =	ssyncadd.s32 $0xFFFFFE00  }
0x1f: {  	v2 =	vld [tilespmem:s25+$0x400]  }
0x20: {  	v3 =	vld [tilespmem:s25+$0x0]  }
0x21: {  	s26 =	simm.s32 $0x40;
	v1 =	vld [tilespmem:s25+$0x200]  }
.LBB2_2:
0x22: {  	p0 =	sne.s32 s26, $0x3C0  }
.Ltmp0:
0x23: {  	_ = 	snop;
	(pc) =	sbr.rel @p0 .LBB2_2-.Ltmp0, $4  }
0x24: {  	s28 =	sshra.s32 s26, $0x2;
	v4 =	vshra.s32 v2, $0x2  }
0x25: {  	v2 =	vld [tilespmem:s28+$0x400];
	v5 =	vshra.s32 v3, $0x2;
	[tilespmem:s25+$0x800] =	vst v4  }
0x26: {  	v3 =	vld [tilespmem:s28+$0x0];
	[tilespmem:s25+$0x600] =	vst v5;
	v4 =	vshra.s32 v1, $0x2  }
0x27: {  	s26 =	sadd.s32 $0x40, s26;
	v1 =	vld [tilespmem:s28+$0x200];
	[tilespmem:s25+$0x700] =	vst v4;
	s25 =	smov.u32 s28  }
0x28: {  	_ =	sdelay $0x1  }
0x29: {  	v2 =	vshra.s32 v2, $0x2  }
0x2a: {  	v3 =	vshra.s32 v3, $0x2;
	[tilespmem:s25+$0x800] =	vst v2  }
0x2b: {  	[tilespmem:s25+$0x600] =	vst v3;
	v1 =	vshra.s32 v1, $0x2  }
0x2c: {  	[tilespmem:s25+$0x700] =	vst v1  }
0x2d: {  	[tilespmem:s16], [sflag:$0x1] =	stream.indirect.gather [hbm4b:s3+s14], $0x80, s15, s14, $0xb8;
	[tilespmem:$0x18D00] =	vst v63  }
0x2e: {  	_ = 	snop  }
0x2f: {  	[tilespmem:s18], [sflag:$0x1] =	stream.indirect.gather [hbm4b:s4+s14], $0x80, s17, s14, $0xb8;
	[tilespmem:$0x18D00] =	vst v63  }
0x30: {  	_ = 	snop  }
0x31: {  	[tilespmem:s20], [sflag:$0x1] =	stream.indirect.gather [hbm4b:s4+s14], $0x80, s19, s14, $0xb8;
	[tilespmem:$0x18D00] =	vst v63  }
0x32: {  	_ =	swait.ge [sflag:s21], $0x8000  }
0x33: {  	[sflag:s21] =	ssyncset.done $0x0  }
0x34: {  	[sflag:s21] =	ssyncadd.s32 $0xFFFF8000  }
0x35: {  	_ =	swait.ge [sflag:s21], $0x8000  }
0x36: {  	[sflag:s21] =	ssyncset.done $0x0  }
0x37: {  	[sflag:s21] =	ssyncadd.s32 $0xFFFF8000  }
0x38: {  	s26 =	simm.s32 $0x200;
	s28 =	simm.s32 $0x400;
	_ =	swait.ge [sflag:s21], $0x8000  }
0x39: {  	s29 =	simm.s32 $0x18900;
	s30 =	simm.s32 $0x18B00;
	[sflag:s21] =	ssyncset.done $0x0  }
0x3a: {  	s31 =	simm.s32 $0x0;
	s25 =	simm.s32 $0x0;
	[sflag:s21] =	ssyncadd.s32 $0xFFFF8000  }
.LBB2_4:
0x3b: {  	v1 =	vld [tilespmem:s25+$0x0]  }
0x3c: {  	v2 =	vld [tilespmem:s26+$0x0]  }
0x3d: {  	v3 =	vld [tilespmem:s28+$0x0];
	_ =	sdelay $0x1  }
0x3e: {  	v4 =	vmov s31  }
0x3f: {  	v4 =	vshll.u32 v4, $0x7;
	v1 =	vshll.u32 v1, $0x5  }
0x40: {  	v4 =	vor.u32 v0, v4;
	v2 =	vshll.u32 v2, $0x5;
	v1 =	vand.u32 $0x60, v1  }
0x41: {  	v5 =	vshll.u32 v3, $0x5;
	v2 =	vand.u32 $0x60, v2;
	v3 =	vor.u32 v4, v1  }
0x42: {  	v1 =	vand.u32 $0x60, v5;
	v2 =	vor.u32 v4, v2  }
0x43: {  	v1 =	vor.u32 v4, v1  }
0x44: {  	v61 =	vor.u32 $0x1, v3  }
0x45: {  	v62 =	vor.u32 $0x1, v2  }
0x46: {  	v9 =	vor.u32 $0x2, v3;
	v6 =	vld.idx.msk [tilespmem:v3+s16+$0x0], $0xffff  }
0x47: {  	v11 =	vor.u32 $0x2, v2;
	v8 =	vld.idx.msk [tilespmem:v2+s18+$0x0], $0xffff  }
0x48: {  	v13 =	vor.u32 $0x3, v3;
	v10 =	vld.idx.msk [tilespmem:v1+s20+$0x0], $0xffff  }
0x49: {  	v14 =	vor.u32 $0x3, v2;
	v4 =	vld.idx.msk [tilespmem:v61+s16+$0x0], $0xffff  }
0x4a: {  	v16 =	vor.u32 $0x4, v3;
	v5 =	vld.idx.msk [tilespmem:v62+s18+$0x0], $0xffff  }
0x4b: {  	v17 =	vor.u32 $0x4, v2;
	v9 =	vld.idx.msk [tilespmem:v9+s16+$0x0], $0xffff  }
0x4c: {  	v19 =	vor.u32 $0x5, v3;
	v11 =	vld.idx.msk [tilespmem:v11+s18+$0x0], $0xffff  }
0x4d: {  	v20 =	vor.u32 $0x5, v2;
	v13 =	vld.idx.msk [tilespmem:v13+s16+$0x0], $0xffff  }
0x4e: {  	v22 =	vor.u32 $0x6, v3;
	v14 =	vld.idx.msk [tilespmem:v14+s18+$0x0], $0xffff  }
0x4f: {  	v23 =	vor.u32 $0x6, v2;
	v16 =	vld.idx.msk [tilespmem:v16+s16+$0x0], $0xffff  }
0x50: {  	v25 =	vor.u32 $0x7, v3;
	v17 =	vld.idx.msk [tilespmem:v17+s18+$0x0], $0xffff  }
0x51: {  	v26 =	vor.u32 $0x7, v2;
	v19 =	vld.idx.msk [tilespmem:v19+s16+$0x0], $0xffff  }
0x52: {  	v28 =	vor.u32 $0x8, v3;
	v20 =	vld.idx.msk [tilespmem:v20+s18+$0x0], $0xffff  }
0x53: {  	v29 =	vor.u32 $0x8, v2;
	v22 =	vld.idx.msk [tilespmem:v22+s16+$0x0], $0xffff  }
0x54: {  	v31 =	vor.u32 $0x9, v3;
	v23 =	vld.idx.msk [tilespmem:v23+s18+$0x0], $0xffff  }
0x55: {  	v32 =	vor.u32 $0x9, v2;
	v25 =	vld.idx.msk [tilespmem:v25+s16+$0x0], $0xffff  }
0x56: {  	v34 =	vor.u32 $0xA, v3;
	v26 =	vld.idx.msk [tilespmem:v26+s18+$0x0], $0xffff  }
0x57: {  	v35 =	vor.u32 $0xA, v2;
	v28 =	vld.idx.msk [tilespmem:v28+s16+$0x0], $0xffff  }
0x58: {  	v37 =	vor.u32 $0xB, v3;
	v29 =	vld.idx.msk [tilespmem:v29+s18+$0x0], $0xffff  }
0x59: {  	v38 =	vor.u32 $0xB, v2;
	v31 =	vld.idx.msk [tilespmem:v31+s16+$0x0], $0xffff  }
0x5a: {  	v40 =	vor.u32 $0xC, v3;
	v32 =	vld.idx.msk [tilespmem:v32+s18+$0x0], $0xffff  }
0x5b: {  	v41 =	vor.u32 $0xC, v2;
	v34 =	vld.idx.msk [tilespmem:v34+s16+$0x0], $0xffff  }
0x5c: {  	v43 =	vor.u32 $0xD, v3;
	v35 =	vld.idx.msk [tilespmem:v35+s18+$0x0], $0xffff  }
0x5d: {  	v7 =	vor.u32 $0x1, v1;
	v37 =	vld.idx.msk [tilespmem:v37+s16+$0x0], $0xffff  }
0x5e: {  	v12 =	vor.u32 $0x2, v1;
	v38 =	vld.idx.msk [tilespmem:v38+s18+$0x0], $0xffff  }
0x5f: {  	v15 =	vor.u32 $0x3, v1;
	v40 =	vld.idx.msk [tilespmem:v40+s16+$0x0], $0xffff  }
0x60: {  	v18 =	vor.u32 $0x4, v1;
	v41 =	vld.idx.msk [tilespmem:v41+s18+$0x0], $0xffff  }
0x61: {  	v21 =	vor.u32 $0x5, v1;
	v43 =	vld.idx.msk [tilespmem:v43+s16+$0x0], $0xffff  }
0x62: {  	v24 =	vor.u32 $0x6, v1;
	v7 =	vld.idx.msk [tilespmem:v7+s20+$0x0], $0xffff  }
0x63: {  	v27 =	vor.u32 $0x7, v1;
	v12 =	vld.idx.msk [tilespmem:v12+s20+$0x0], $0xffff  }
0x64: {  	v30 =	vor.u32 $0x8, v1;
	v15 =	vld.idx.msk [tilespmem:v15+s20+$0x0], $0xffff  }
0x65: {  	v33 =	vor.u32 $0x9, v1;
	v18 =	vld.idx.msk [tilespmem:v18+s20+$0x0], $0xffff  }
0x66: {  	v36 =	vor.u32 $0xA, v1;
	v21 =	vld.idx.msk [tilespmem:v21+s20+$0x0], $0xffff  }
0x67: {  	v39 =	vor.u32 $0xB, v1;
	v24 =	vld.idx.msk [tilespmem:v24+s20+$0x0], $0xffff  }
0x68: {  	v42 =	vor.u32 $0xC, v1;
	v27 =	vld.idx.msk [tilespmem:v27+s20+$0x0], $0xffff  }
0x69: {  	v45 =	vor.u32 $0xD, v1;
	v30 =	vld.idx.msk [tilespmem:v30+s20+$0x0], $0xffff  }
0x6a: {  	v63 =	vor.u32 $0xE, v2;
	v33 =	vld.idx.msk [tilespmem:v33+s20+$0x0], $0xffff  }
0x6b: {  	v44 =	vor.u32 $0xD, v2;
	v48 =	vor.u32 $0xF, v3;
	v36 =	vld.idx.msk [tilespmem:v36+s20+$0x0], $0xffff;
	v8 =	vmul.f32 v8, v6  }
0x6c: {  	v46 =	vor.u32 $0xE, v3;
	v62 =	vor.u32 $0x11, v2;
	v39 =	vld.idx.msk [tilespmem:v39+s20+$0x0], $0xffff;
	v6 =	vmul.f32 v10, v6  }
0x6d: {  	v50 =	vor.u32 $0xF, v2;
	v10 =	vld.idx.msk [tilespmem:v42+s20+$0x0], $0xffff;
	v5 =	vmul.f32 v5, v4;
	v8 =	vadd.f32 $0.0e+00, v8  }
0x6e: {  	v49 =	vmul.f32 v11, v9;
	v11 =	vld.idx.msk [tilespmem:v45+s20+$0x0], $0xffff;
	v4 =	vmul.f32 v7, v4;
	v6 =	vadd.f32 $0.0e+00, v6  }
0x6f: {  	v47 =	vor.u32 $0xE, v1;
	v53 =	vmul.f32 v14, v13;
	v14 =	vld.idx.msk [tilespmem:v63+s18+$0x0], $0xffff;
	v5 =	vadd.f32 v5, v8  }
0x70: {  	v57 =	vmul.f32 v17, v16;
	v17 =	vld.idx.msk [tilespmem:v48+s16+$0x0], $0xffff;
	v51 =	vmul.f32 v12, v9;
	v4 =	vadd.f32 v4, v6  }
0x71: {  	v52 =	vor.u32 $0xF, v1;
	v61 =	vmul.f32 v20, v19;
	v20 =	vld.idx.msk [tilespmem:v62+s18+$0x0], $0xffff;
	v5 =	vadd.f32 v49, v5  }
0x72: {  	v54 =	vor.u32 $0x10, v3;
	v7 =	vld.idx.msk [tilespmem:v44+s18+$0x0], $0xffff;
	v55 =	vmul.f32 v15, v13;
	v4 =	vadd.f32 v51, v4  }
0x73: {  	v56 =	vor.u32 $0x10, v2;
	v60 =	vor.u32 $0x11, v3;
	v9 =	vld.idx.msk [tilespmem:v46+s16+$0x0], $0xffff;
	v5 =	vadd.f32 v53, v5  }
0x74: {  	v58 =	vor.u32 $0x10, v1;
	v13 =	vld.idx.msk [tilespmem:v47+s20+$0x0], $0xffff;
	v59 =	vmul.f32 v18, v16;
	v4 =	vadd.f32 v55, v4  }
0x75: {  	v45 =	vor.u32 $0x11, v1;
	v62 =	vmul.f32 v35, v34;
	v16 =	vld.idx.msk [tilespmem:v50+s18+$0x0], $0xffff;
	v5 =	vadd.f32 v57, v5  }
0x76: {  	v42 =	vor.u32 $0x15, v3;
	v12 =	vld.idx.msk [tilespmem:v52+s20+$0x0], $0xffff;
	v63 =	vmul.f32 v21, v19;
	v4 =	vadd.f32 v59, v4  }
0x77: {  	v19 =	vld.idx.msk [tilespmem:v54+s16+$0x0], $0xffff;
	v46 =	vmul.f32 v23, v22;
	v47 =	vor.u32 $0x12, v3;
	v5 =	vadd.f32 v61, v5  }
0x78: {  	v15 =	vld.idx.msk [tilespmem:v56+s18+$0x0], $0xffff;
	v48 =	vmul.f32 v24, v22;
	v50 =	vmul.f32 v26, v25;
	v4 =	vadd.f32 v63, v4  }
0x79: {  	v22 =	vld.idx.msk [tilespmem:v58+s20+$0x0], $0xffff;
	v52 =	vmul.f32 v27, v25;
	v49 =	vor.u32 $0x12, v2;
	v5 =	vadd.f32 v46, v5  }
0x7a: {  	v18 =	vld.idx.msk [tilespmem:v60+s16+$0x0], $0xffff;
	v54 =	vmul.f32 v29, v28;
	v51 =	vor.u32 $0x12, v1;
	v4 =	vadd.f32 v48, v4  }
0x7b: {  	v56 =	vmul.f32 v30, v28;
	v21 =	vld.idx.msk [tilespmem:v45+s20+$0x0], $0xffff;
	v53 =	vor.u32 $0x13, v3;
	v5 =	vadd.f32 v50, v5  }
0x7c: {  	v58 =	vmul.f32 v32, v31;
	v45 =	vor.u32 $0x15, v2;
	v8 =	vld.idx.msk [tilespmem:v42+s16+$0x0], $0xffff;
	v4 =	vadd.f32 v52, v4  }
0x7d: {  	v60 =	vmul.f32 v33, v31;
	v23 =	vld.idx.msk [tilespmem:v47+s16+$0x0], $0xffff;
	v55 =	vor.u32 $0x13, v2;
	v5 =	vadd.f32 v54, v5  }
0x7e: {  	v36 =	vmul.f32 v36, v34;
	v47 =	vor.u32 $0x15, v1;
	v24 =	vld.idx.msk [tilespmem:v49+s18+$0x0], $0xffff;
	v4 =	vadd.f32 v56, v4  }
0x7f: {  	v44 =	vmul.f32 v38, v37;
	v57 =	vor.u32 $0x13, v1;
	v26 =	vld.idx.msk [tilespmem:v51+s20+$0x0], $0xffff;
	v5 =	vadd.f32 v58, v5  }
0x80: {  	v59 =	vor.u32 $0x14, v3;
	v49 =	vor.u32 $0x16, v3;
	v25 =	vld.idx.msk [tilespmem:v53+s16+$0x0], $0xffff;
	v4 =	vadd.f32 v60, v4  }
0x81: {  	v61 =	vor.u32 $0x14, v2;
	v53 =	vmul.f32 v11, v43;
	v11 =	vld.idx.msk [tilespmem:v45+s18+$0x0], $0xffff;
	v5 =	vadd.f32 v62, v5  }
0x82: {  	v51 =	vor.u32 $0x16, v2;
	v27 =	vld.idx.msk [tilespmem:v55+s18+$0x0], $0xffff;
	v46 =	vmul.f32 v39, v37;
	v4 =	vadd.f32 v36, v4  }
0x83: {  	v55 =	vmul.f32 v14, v9;
	v14 =	vld.idx.msk [tilespmem:v47+s20+$0x0], $0xffff;
	v48 =	vmul.f32 v41, v40;
	v5 =	vadd.f32 v44, v5  }
0x84: {  	v63 =	vor.u32 $0x14, v1;
	v28 =	vld.idx.msk [tilespmem:v57+s20+$0x0], $0xffff;
	v50 =	vmul.f32 v10, v40;
	v4 =	vadd.f32 v46, v4  }
0x85: {  	v7 =	vmul.f32 v7, v43;
	v43 =	vor.u32 $0x19, v1;
	v29 =	vld.idx.msk [tilespmem:v59+s16+$0x0], $0xffff;
	v5 =	vadd.f32 v48, v5  }
0x86: {  	v39 =	vor.u32 $0x19, v3;
	v57 =	vmul.f32 v13, v9;
	v9 =	vld.idx.msk [tilespmem:v49+s16+$0x0], $0xffff;
	v4 =	vadd.f32 v50, v4  }
0x87: {  	v42 =	vmul.f32 v21, v18;
	v41 =	vor.u32 $0x19, v2;
	v30 =	vld.idx.msk [tilespmem:v61+s18+$0x0], $0xffff;
	v5 =	vadd.f32 v7, v5  }
0x88: {  	v59 =	vmul.f32 v16, v17;
	v52 =	vor.u32 $0x16, v1;
	v16 =	vld.idx.msk [tilespmem:v51+s18+$0x0], $0xffff;
	v4 =	vadd.f32 v53, v4  }
0x89: {  	v45 =	vor.u32 $0x1A, v3;
	v10 =	vld.idx.msk [tilespmem:v63+s20+$0x0], $0xffff;
	v54 =	vor.u32 $0x17, v3;
	v5 =	vadd.f32 v55, v5  }
0x8a: {  	v61 =	vmul.f32 v12, v17;
	v21 =	vld.idx.msk [tilespmem:v43+s20+$0x0], $0xffff;
	v56 =	vor.u32 $0x17, v2;
	v4 =	vadd.f32 v57, v4  }
0x8b: {  	v37 =	vmul.f32 v22, v19;
	v63 =	vmul.f32 v15, v19;
	v22 =	vld.idx.msk [tilespmem:v39+s16+$0x0], $0xffff;
	v5 =	vadd.f32 v59, v5  }
0x8c: {  	v40 =	vmul.f32 v20, v18;
	v58 =	vor.u32 $0x17, v1;
	v20 =	vld.idx.msk [tilespmem:v41+s18+$0x0], $0xffff;
	v4 =	vadd.f32 v61, v4  }
0x8d: {  	v60 =	vor.u32 $0x18, v3;
	v12 =	vld.idx.msk [tilespmem:v52+s20+$0x0], $0xffff;
	v5 =	vadd.f32 v63, v5  }
0x8e: {  	v34 =	vor.u32 $0x1D, v3;
	v15 =	vld.idx.msk [tilespmem:v54+s16+$0x0], $0xffff;
	v36 =	vor.u32 $0x18, v1;
	v4 =	vadd.f32 v37, v4  }
0x8f: {  	v62 =	vor.u32 $0x18, v2;
	v38 =	vld.idx.msk [tilespmem:v56+s18+$0x0], $0xffff;
	v44 =	vmul.f32 v24, v23;
	v5 =	vadd.f32 v40, v5  }
0x90: {  	v49 =	vmul.f32 v27, v25;
	v56 =	vld.idx.msk [tilespmem:v45+s16+$0x0], $0xffff;
	v46 =	vmul.f32 v26, v23;
	v4 =	vadd.f32 v42, v4  }
0x91: {  	v51 =	vmul.f32 v28, v25;
	v54 =	vor.u32 $0x1B, v2;
	v13 =	vld.idx.msk [tilespmem:v58+s20+$0x0], $0xffff;
	v5 =	vadd.f32 v44, v5  }
0x92: {  	v52 =	vor.u32 $0x1B, v3;
	v58 =	vmul.f32 v11, v8;
	v18 =	vld.idx.msk [tilespmem:v60+s16+$0x0], $0xffff;
	v4 =	vadd.f32 v46, v4  }
0x93: {  	v60 =	vor.u32 $0x1C, v3;
	v47 =	vld.idx.msk [tilespmem:v36+s20+$0x0], $0xffff;
	v53 =	vmul.f32 v30, v29;
	v5 =	vadd.f32 v49, v5  }
0x94: {  	v48 =	vor.u32 $0x1A, v2;
	v17 =	vld.idx.msk [tilespmem:v62+s18+$0x0], $0xffff;
	v55 =	vmul.f32 v10, v29;
	v4 =	vadd.f32 v51, v4  }
0x95: {  	v50 =	vor.u32 $0x1A, v1;
	v32 =	vmul.f32 v12, v9;
	v12 =	vld.idx.msk [tilespmem:v34+s16+$0x0], $0xffff;
	v5 =	vadd.f32 v53, v5  }
0x96: {  	v33 =	vld.idx.msk [tilespmem:v54+s18+$0x0], $0xffff;
	v57 =	vor.u32 $0x1B, v1;
	v61 =	vmul.f32 v14, v8;
	v4 =	vadd.f32 v55, v4  }
0x97: {  	v31 =	vor.u32 $0x1C, v1;
	v30 =	vld.idx.msk [tilespmem:v52+s16+$0x0], $0xffff;
	v29 =	vmul.f32 v16, v9;
	v5 =	vadd.f32 v58, v5  }
0x98: {  	v39 =	vld.idx.msk [tilespmem:v60+s16+$0x0], $0xffff;
	v43 =	vmul.f32 v47, v18;
	v47 =	vor.u32 $0x1E, v1;
	v4 =	vadd.f32 v61, v4  }
0x99: {  	v35 =	vmul.f32 v38, v15;
	v59 =	vld.idx.msk [tilespmem:v48+s18+$0x0], $0xffff;
	v63 =	vor.u32 $0x1C, v2;
	v5 =	vadd.f32 v29, v5  }
0x9a: {  	v38 =	vmul.f32 v13, v15;
	v62 =	vld.idx.msk [tilespmem:v50+s20+$0x0], $0xffff;
	v37 =	vor.u32 $0x1D, v2;
	v4 =	vadd.f32 v32, v4  }
0x9b: {  	v41 =	vmul.f32 v17, v18;
	v36 =	vld.idx.msk [tilespmem:v57+s20+$0x0], $0xffff;
	v40 =	vor.u32 $0x1D, v1;
	v5 =	vadd.f32 v35, v5  }
0x9c: {  	v42 =	vor.u32 $0x1E, v3;
	v44 =	vld.idx.msk [tilespmem:v31+s20+$0x0], $0xffff;
	v4 =	vadd.f32 v38, v4  }
0x9d: {  	v45 =	vor.u32 $0x1E, v2;
	v57 =	vld.idx.msk [tilespmem:v47+s20+$0x0], $0xffff;
	v46 =	vmul.f32 v20, v22;
	v5 =	vadd.f32 v41, v5  }
0x9e: {  	v48 =	vmul.f32 v21, v22;
	v2 =	vor.u32 $0x1F, v2;
	v14 =	vld.idx.msk [tilespmem:v63+s18+$0x0], $0xffff;
	v4 =	vadd.f32 v43, v4  }
0x9f: {  	v3 =	vor.u32 $0x1F, v3;
	v50 =	vmul.f32 v59, v56;
	v49 =	vld.idx.msk [tilespmem:v37+s18+$0x0], $0xffff;
	v5 =	vadd.f32 v46, v5  }
0xa0: {  	v1 =	vor.u32 $0x1F, v1;
	v52 =	vmul.f32 v62, v56;
	v51 =	vld.idx.msk [tilespmem:v40+s20+$0x0], $0xffff;
	v4 =	vadd.f32 v48, v4  }
0xa1: {  	v54 =	vmul.f32 v33, v30;
	v53 =	vld.idx.msk [tilespmem:v42+s16+$0x0], $0xffff;
	v5 =	vadd.f32 v50, v5  }
0xa2: {  	v56 =	vmul.f32 v36, v30;
	v55 =	vld.idx.msk [tilespmem:v45+s18+$0x0], $0xffff;
	v4 =	vadd.f32 v52, v4  }
0xa3: {  	v2 =	vld.idx.msk [tilespmem:v2+s18+$0x0], $0xffff;
	v58 =	vmul.f32 v14, v39;
	v5 =	vadd.f32 v54, v5  }
0xa4: {  	v3 =	vld.idx.msk [tilespmem:v3+s16+$0x0], $0xffff;
	v59 =	vmul.f32 v44, v39;
	v4 =	vadd.f32 v56, v4  }
0xa5: {  	v1 =	vld.idx.msk [tilespmem:v1+s20+$0x0], $0xffff;
	v60 =	vmul.f32 v49, v12;
	v5 =	vadd.f32 v58, v5  }
0xa6: {  	v61 =	vmul.f32 v51, v12;
	v4 =	vadd.f32 v59, v4  }
0xa7: {  	v62 =	vmul.f32 v55, v53;
	v5 =	vadd.f32 v60, v5  }
0xa8: {  	v63 =	vmul.f32 v57, v53;
	v4 =	vadd.f32 v61, v4  }
0xa9: {  	p0 =	sne.s32 s31, $0xF0;
	v2 =	vmul.f32 v2, v3;
	v5 =	vadd.f32 v62, v5  }
.Ltmp1:
0xaa: {  	v1 =	vmul.f32 v1, v3;
	v4 =	vadd.f32 v63, v4;
	(pc) =	sbr.rel @p0 .LBB2_4-.Ltmp1, $4  }
0xab: {  	v2 =	vadd.f32 v2, v5  }
0xac: {  	v1 =	vadd.f32 v1, v4  }
0xad: {  	s25 =	sadd.s32 $0x10, s25;
	s26 =	sadd.s32 $0x10, s26;
	s28 =	sadd.s32 $0x10, s28;
	[tilespmem:s29+$0x0] =	vst v2  }
0xae: {  	s31 =	sadd.s32 $0x10, s31;
	s29 =	sadd.s32 $0x10, s29;
	[tilespmem:s30+$0x0] =	vst v1;
	s30 =	sadd.s32 $0x10, s30  }
0xaf: {  	s25 =	simm.s32 $0x0  }
0xb0: {  	v2 =	vld [tilespmem:s25+$0x500]  }
0xb1: {  	v3 =	vld [tilespmem:s25+$0x100]  }
0xb2: {  	s26 =	simm.s32 $0x40;
	v1 =	vld [tilespmem:s25+$0x300]  }
.LBB2_6:
0xb3: {  	p0 =	sne.s32 s26, $0x3C0  }
.Ltmp2:
0xb4: {  	_ = 	snop;
	(pc) =	sbr.rel @p0 .LBB2_6-.Ltmp2, $4  }
0xb5: {  	s28 =	sshra.s32 s26, $0x2;
	v4 =	vshra.s32 v2, $0x2  }
0xb6: {  	v2 =	vld [tilespmem:s28+$0x500];
	v5 =	vshra.s32 v3, $0x2;
	[tilespmem:s25+$0x800] =	vst v4  }
0xb7: {  	v3 =	vld [tilespmem:s28+$0x100];
	[tilespmem:s25+$0x600] =	vst v5;
	v4 =	vshra.s32 v1, $0x2  }
0xb8: {  	s26 =	sadd.s32 $0x40, s26;
	v1 =	vld [tilespmem:s28+$0x300];
	[tilespmem:s25+$0x700] =	vst v4;
	s25 =	smov.u32 s28  }
0xb9: {  	_ =	sdelay $0x1  }
0xba: {  	v2 =	vshra.s32 v2, $0x2  }
0xbb: {  	v3 =	vshra.s32 v3, $0x2;
	[tilespmem:s25+$0x800] =	vst v2  }
0xbc: {  	[tilespmem:s25+$0x600] =	vst v3;
	v1 =	vshra.s32 v1, $0x2  }
0xbd: {  	[tilespmem:s25+$0x700] =	vst v1;
	s25 =	simm.s32 $0x100  }
0xbe: {  	[tilespmem:s16], [sflag:$0x1] =	stream.indirect.gather [hbm4b:s3+s25], $0x80, s15, s25, $0xb8;
	[tilespmem:$0x18D00] =	vst v63  }
0xbf: {  	_ = 	snop  }
0xc0: {  	[tilespmem:s18], [sflag:$0x1] =	stream.indirect.gather [hbm4b:s4+s25], $0x80, s17, s25, $0xb8;
	[tilespmem:$0x18D00] =	vst v63  }
0xc1: {  	_ = 	snop  }
0xc2: {  	[tilespmem:s20], [sflag:$0x1] =	stream.indirect.gather [hbm4b:s4+s25], $0x80, s19, s25, $0xb8;
	[tilespmem:$0x18D00] =	vst v63  }
0xc3: {  	_ =	swait.ge [sflag:s21], $0x8000  }
0xc4: {  	[sflag:s21] =	ssyncset.done $0x0  }
0xc5: {  	[sflag:s21] =	ssyncadd.s32 $0xFFFF8000  }
0xc6: {  	_ =	swait.ge [sflag:s21], $0x8000  }
0xc7: {  	[sflag:s21] =	ssyncset.done $0x0  }
0xc8: {  	[sflag:s21] =	ssyncadd.s32 $0xFFFF8000  }
0xc9: {  	s26 =	simm.s32 $0x0;
	_ =	swait.ge [sflag:s21], $0x8000  }
0xca: {  	s28 =	simm.s32 $0x18C00;
	s29 =	simm.s32 $0x18A00;
	[sflag:s21] =	ssyncset.done $0x0  }
0xcb: {  	s30 =	simm.s32 $0x500;
	s31 =	simm.s32 $0x300;
	[sflag:s21] =	ssyncadd.s32 $0xFFFF8000  }
.LBB2_8:
0xcc: {  	v1 =	vld [tilespmem:s25+$0x0]  }
0xcd: {  	v2 =	vld [tilespmem:s31+$0x0]  }
0xce: {  	v3 =	vld [tilespmem:s30+$0x0];
	_ =	sdelay $0x1  }
0xcf: {  	v4 =	vmov s26  }
0xd0: {  	v4 =	vshll.u32 v4, $0x7;
	v1 =	vshll.u32 v1, $0x5  }
0xd1: {  	v4 =	vor.u32 v0, v4;
	v2 =	vshll.u32 v2, $0x5;
	v1 =	vand.u32 $0x60, v1  }
0xd2: {  	v5 =	vshll.u32 v3, $0x5;
	v2 =	vand.u32 $0x60, v2;
	v3 =	vor.u32 v4, v1  }
0xd3: {  	v1 =	vand.u32 $0x60, v5;
	v2 =	vor.u32 v4, v2  }
0xd4: {  	v1 =	vor.u32 v4, v1  }
0xd5: {  	v61 =	vor.u32 $0x1, v3  }
0xd6: {  	v62 =	vor.u32 $0x1, v2  }
0xd7: {  	v9 =	vor.u32 $0x2, v3;
	v6 =	vld.idx.msk [tilespmem:v3+s16+$0x0], $0xffff  }
0xd8: {  	v11 =	vor.u32 $0x2, v2;
	v8 =	vld.idx.msk [tilespmem:v2+s18+$0x0], $0xffff  }
0xd9: {  	v13 =	vor.u32 $0x3, v3;
	v10 =	vld.idx.msk [tilespmem:v1+s20+$0x0], $0xffff  }
0xda: {  	v14 =	vor.u32 $0x3, v2;
	v4 =	vld.idx.msk [tilespmem:v61+s16+$0x0], $0xffff  }
0xdb: {  	v16 =	vor.u32 $0x4, v3;
	v5 =	vld.idx.msk [tilespmem:v62+s18+$0x0], $0xffff  }
0xdc: {  	v17 =	vor.u32 $0x4, v2;
	v9 =	vld.idx.msk [tilespmem:v9+s16+$0x0], $0xffff  }
0xdd: {  	v19 =	vor.u32 $0x5, v3;
	v11 =	vld.idx.msk [tilespmem:v11+s18+$0x0], $0xffff  }
0xde: {  	v20 =	vor.u32 $0x5, v2;
	v13 =	vld.idx.msk [tilespmem:v13+s16+$0x0], $0xffff  }
0xdf: {  	v22 =	vor.u32 $0x6, v3;
	v14 =	vld.idx.msk [tilespmem:v14+s18+$0x0], $0xffff  }
0xe0: {  	v23 =	vor.u32 $0x6, v2;
	v16 =	vld.idx.msk [tilespmem:v16+s16+$0x0], $0xffff  }
0xe1: {  	v25 =	vor.u32 $0x7, v3;
	v17 =	vld.idx.msk [tilespmem:v17+s18+$0x0], $0xffff  }
0xe2: {  	v26 =	vor.u32 $0x7, v2;
	v19 =	vld.idx.msk [tilespmem:v19+s16+$0x0], $0xffff  }
0xe3: {  	v28 =	vor.u32 $0x8, v3;
	v20 =	vld.idx.msk [tilespmem:v20+s18+$0x0], $0xffff  }
0xe4: {  	v29 =	vor.u32 $0x8, v2;
	v22 =	vld.idx.msk [tilespmem:v22+s16+$0x0], $0xffff  }
0xe5: {  	v31 =	vor.u32 $0x9, v3;
	v23 =	vld.idx.msk [tilespmem:v23+s18+$0x0], $0xffff  }
0xe6: {  	v32 =	vor.u32 $0x9, v2;
	v25 =	vld.idx.msk [tilespmem:v25+s16+$0x0], $0xffff  }
0xe7: {  	v34 =	vor.u32 $0xA, v3;
	v26 =	vld.idx.msk [tilespmem:v26+s18+$0x0], $0xffff  }
0xe8: {  	v35 =	vor.u32 $0xA, v2;
	v28 =	vld.idx.msk [tilespmem:v28+s16+$0x0], $0xffff  }
0xe9: {  	v37 =	vor.u32 $0xB, v3;
	v29 =	vld.idx.msk [tilespmem:v29+s18+$0x0], $0xffff  }
0xea: {  	v38 =	vor.u32 $0xB, v2;
	v31 =	vld.idx.msk [tilespmem:v31+s16+$0x0], $0xffff  }
0xeb: {  	v40 =	vor.u32 $0xC, v3;
	v32 =	vld.idx.msk [tilespmem:v32+s18+$0x0], $0xffff  }
0xec: {  	v41 =	vor.u32 $0xC, v2;
	v34 =	vld.idx.msk [tilespmem:v34+s16+$0x0], $0xffff  }
0xed: {  	v43 =	vor.u32 $0xD, v3;
	v35 =	vld.idx.msk [tilespmem:v35+s18+$0x0], $0xffff  }
0xee: {  	v7 =	vor.u32 $0x1, v1;
	v37 =	vld.idx.msk [tilespmem:v37+s16+$0x0], $0xffff  }
0xef: {  	v12 =	vor.u32 $0x2, v1;
	v38 =	vld.idx.msk [tilespmem:v38+s18+$0x0], $0xffff  }
0xf0: {  	v15 =	vor.u32 $0x3, v1;
	v40 =	vld.idx.msk [tilespmem:v40+s16+$0x0], $0xffff  }
0xf1: {  	v18 =	vor.u32 $0x4, v1;
	v41 =	vld.idx.msk [tilespmem:v41+s18+$0x0], $0xffff  }
0xf2: {  	v21 =	vor.u32 $0x5, v1;
	v43 =	vld.idx.msk [tilespmem:v43+s16+$0x0], $0xffff  }
0xf3: {  	v24 =	vor.u32 $0x6, v1;
	v7 =	vld.idx.msk [tilespmem:v7+s20+$0x0], $0xffff  }
0xf4: {  	v27 =	vor.u32 $0x7, v1;
	v12 =	vld.idx.msk [tilespmem:v12+s20+$0x0], $0xffff  }
0xf5: {  	v30 =	vor.u32 $0x8, v1;
	v15 =	vld.idx.msk [tilespmem:v15+s20+$0x0], $0xffff  }
0xf6: {  	v33 =	vor.u32 $0x9, v1;
	v18 =	vld.idx.msk [tilespmem:v18+s20+$0x0], $0xffff  }
0xf7: {  	v36 =	vor.u32 $0xA, v1;
	v21 =	vld.idx.msk [tilespmem:v21+s20+$0x0], $0xffff  }
0xf8: {  	v39 =	vor.u32 $0xB, v1;
	v24 =	vld.idx.msk [tilespmem:v24+s20+$0x0], $0xffff  }
0xf9: {  	v42 =	vor.u32 $0xC, v1;
	v27 =	vld.idx.msk [tilespmem:v27+s20+$0x0], $0xffff  }
0xfa: {  	v45 =	vor.u32 $0xD, v1;
	v30 =	vld.idx.msk [tilespmem:v30+s20+$0x0], $0xffff  }
0xfb: {  	v63 =	vor.u32 $0xE, v2;
	v33 =	vld.idx.msk [tilespmem:v33+s20+$0x0], $0xffff  }
0xfc: {  	v44 =	vor.u32 $0xD, v2;
	v48 =	vor.u32 $0xF, v3;
	v36 =	vld.idx.msk [tilespmem:v36+s20+$0x0], $0xffff;
	v8 =	vmul.f32 v8, v6  }
0xfd: {  	v46 =	vor.u32 $0xE, v3;
	v62 =	vor.u32 $0x11, v2;
	v39 =	vld.idx.msk [tilespmem:v39+s20+$0x0], $0xffff;
	v6 =	vmul.f32 v10, v6  }
0xfe: {  	v50 =	vor.u32 $0xF, v2;
	v10 =	vld.idx.msk [tilespmem:v42+s20+$0x0], $0xffff;
	v5 =	vmul.f32 v5, v4;
	v8 =	vadd.f32 $0.0e+00, v8  }
0xff: {  	v49 =	vmul.f32 v11, v9;
	v11 =	vld.idx.msk [tilespmem:v45+s20+$0x0], $0xffff;
	v4 =	vmul.f32 v7, v4;
	v6 =	vadd.f32 $0.0e+00, v6  }
0x100: {  	v47 =	vor.u32 $0xE, v1;
	v53 =	vmul.f32 v14, v13;
	v14 =	vld.idx.msk [tilespmem:v63+s18+$0x0], $0xffff;
	v5 =	vadd.f32 v5, v8  }
0x101: {  	v57 =	vmul.f32 v17, v16;
	v17 =	vld.idx.msk [tilespmem:v48+s16+$0x0], $0xffff;
	v51 =	vmul.f32 v12, v9;
	v4 =	vadd.f32 v4, v6  }
0x102: {  	v52 =	vor.u32 $0xF, v1;
	v61 =	vmul.f32 v20, v19;
	v20 =	vld.idx.msk [tilespmem:v62+s18+$0x0], $0xffff;
	v5 =	vadd.f32 v49, v5  }
0x103: {  	v54 =	vor.u32 $0x10, v3;
	v7 =	vld.idx.msk [tilespmem:v44+s18+$0x0], $0xffff;
	v55 =	vmul.f32 v15, v13;
	v4 =	vadd.f32 v51, v4  }
0x104: {  	v56 =	vor.u32 $0x10, v2;
	v60 =	vor.u32 $0x11, v3;
	v9 =	vld.idx.msk [tilespmem:v46+s16+$0x0], $0xffff;
	v5 =	vadd.f32 v53, v5  }
0x105: {  	v58 =	vor.u32 $0x10, v1;
	v13 =	vld.idx.msk [tilespmem:v47+s20+$0x0], $0xffff;
	v59 =	vmul.f32 v18, v16;
	v4 =	vadd.f32 v55, v4  }
0x106: {  	v45 =	vor.u32 $0x11, v1;
	v62 =	vmul.f32 v35, v34;
	v16 =	vld.idx.msk [tilespmem:v50+s18+$0x0], $0xffff;
	v5 =	vadd.f32 v57, v5  }
0x107: {  	v42 =	vor.u32 $0x15, v3;
	v12 =	vld.idx.msk [tilespmem:v52+s20+$0x0], $0xffff;
	v63 =	vmul.f32 v21, v19;
	v4 =	vadd.f32 v59, v4  }
0x108: {  	v19 =	vld.idx.msk [tilespmem:v54+s16+$0x0], $0xffff;
	v46 =	vmul.f32 v23, v22;
	v47 =	vor.u32 $0x12, v3;
	v5 =	vadd.f32 v61, v5  }
0x109: {  	v15 =	vld.idx.msk [tilespmem:v56+s18+$0x0], $0xffff;
	v48 =	vmul.f32 v24, v22;
	v50 =	vmul.f32 v26, v25;
	v4 =	vadd.f32 v63, v4  }
0x10a: {  	v22 =	vld.idx.msk [tilespmem:v58+s20+$0x0], $0xffff;
	v52 =	vmul.f32 v27, v25;
	v49 =	vor.u32 $0x12, v2;
	v5 =	vadd.f32 v46, v5  }
0x10b: {  	v18 =	vld.idx.msk [tilespmem:v60+s16+$0x0], $0xffff;
	v54 =	vmul.f32 v29, v28;
	v51 =	vor.u32 $0x12, v1;
	v4 =	vadd.f32 v48, v4  }
0x10c: {  	v56 =	vmul.f32 v30, v28;
	v21 =	vld.idx.msk [tilespmem:v45+s20+$0x0], $0xffff;
	v53 =	vor.u32 $0x13, v3;
	v5 =	vadd.f32 v50, v5  }
0x10d: {  	v58 =	vmul.f32 v32, v31;
	v45 =	vor.u32 $0x15, v2;
	v8 =	vld.idx.msk [tilespmem:v42+s16+$0x0], $0xffff;
	v4 =	vadd.f32 v52, v4  }
0x10e: {  	v60 =	vmul.f32 v33, v31;
	v23 =	vld.idx.msk [tilespmem:v47+s16+$0x0], $0xffff;
	v55 =	vor.u32 $0x13, v2;
	v5 =	vadd.f32 v54, v5  }
0x10f: {  	v36 =	vmul.f32 v36, v34;
	v47 =	vor.u32 $0x15, v1;
	v24 =	vld.idx.msk [tilespmem:v49+s18+$0x0], $0xffff;
	v4 =	vadd.f32 v56, v4  }
0x110: {  	v44 =	vmul.f32 v38, v37;
	v57 =	vor.u32 $0x13, v1;
	v26 =	vld.idx.msk [tilespmem:v51+s20+$0x0], $0xffff;
	v5 =	vadd.f32 v58, v5  }
0x111: {  	v59 =	vor.u32 $0x14, v3;
	v49 =	vor.u32 $0x16, v3;
	v25 =	vld.idx.msk [tilespmem:v53+s16+$0x0], $0xffff;
	v4 =	vadd.f32 v60, v4  }
0x112: {  	v61 =	vor.u32 $0x14, v2;
	v53 =	vmul.f32 v11, v43;
	v11 =	vld.idx.msk [tilespmem:v45+s18+$0x0], $0xffff;
	v5 =	vadd.f32 v62, v5  }
0x113: {  	v51 =	vor.u32 $0x16, v2;
	v27 =	vld.idx.msk [tilespmem:v55+s18+$0x0], $0xffff;
	v46 =	vmul.f32 v39, v37;
	v4 =	vadd.f32 v36, v4  }
0x114: {  	v55 =	vmul.f32 v14, v9;
	v14 =	vld.idx.msk [tilespmem:v47+s20+$0x0], $0xffff;
	v48 =	vmul.f32 v41, v40;
	v5 =	vadd.f32 v44, v5  }
0x115: {  	v63 =	vor.u32 $0x14, v1;
	v28 =	vld.idx.msk [tilespmem:v57+s20+$0x0], $0xffff;
	v50 =	vmul.f32 v10, v40;
	v4 =	vadd.f32 v46, v4  }
0x116: {  	v7 =	vmul.f32 v7, v43;
	v43 =	vor.u32 $0x19, v1;
	v29 =	vld.idx.msk [tilespmem:v59+s16+$0x0], $0xffff;
	v5 =	vadd.f32 v48, v5  }
0x117: {  	v39 =	vor.u32 $0x19, v3;
	v57 =	vmul.f32 v13, v9;
	v9 =	vld.idx.msk [tilespmem:v49+s16+$0x0], $0xffff;
	v4 =	vadd.f32 v50, v4  }
0x118: {  	v42 =	vmul.f32 v21, v18;
	v41 =	vor.u32 $0x19, v2;
	v30 =	vld.idx.msk [tilespmem:v61+s18+$0x0], $0xffff;
	v5 =	vadd.f32 v7, v5  }
0x119: {  	v59 =	vmul.f32 v16, v17;
	v52 =	vor.u32 $0x16, v1;
	v16 =	vld.idx.msk [tilespmem:v51+s18+$0x0], $0xffff;
	v4 =	vadd.f32 v53, v4  }
0x11a: {  	v45 =	vor.u32 $0x1A, v3;
	v10 =	vld.idx.msk [tilespmem:v63+s20+$0x0], $0xffff;
	v54 =	vor.u32 $0x17, v3;
	v5 =	vadd.f32 v55, v5  }
0x11b: {  	v61 =	vmul.f32 v12, v17;
	v21 =	vld.idx.msk [tilespmem:v43+s20+$0x0], $0xffff;
	v56 =	vor.u32 $0x17, v2;
	v4 =	vadd.f32 v57, v4  }
0x11c: {  	v37 =	vmul.f32 v22, v19;
	v63 =	vmul.f32 v15, v19;
	v22 =	vld.idx.msk [tilespmem:v39+s16+$0x0], $0xffff;
	v5 =	vadd.f32 v59, v5  }
0x11d: {  	v40 =	vmul.f32 v20, v18;
	v58 =	vor.u32 $0x17, v1;
	v20 =	vld.idx.msk [tilespmem:v41+s18+$0x0], $0xffff;
	v4 =	vadd.f32 v61, v4  }
0x11e: {  	v60 =	vor.u32 $0x18, v3;
	v12 =	vld.idx.msk [tilespmem:v52+s20+$0x0], $0xffff;
	v5 =	vadd.f32 v63, v5  }
0x11f: {  	v34 =	vor.u32 $0x1D, v3;
	v15 =	vld.idx.msk [tilespmem:v54+s16+$0x0], $0xffff;
	v36 =	vor.u32 $0x18, v1;
	v4 =	vadd.f32 v37, v4  }
0x120: {  	v62 =	vor.u32 $0x18, v2;
	v38 =	vld.idx.msk [tilespmem:v56+s18+$0x0], $0xffff;
	v44 =	vmul.f32 v24, v23;
	v5 =	vadd.f32 v40, v5  }
0x121: {  	v49 =	vmul.f32 v27, v25;
	v56 =	vld.idx.msk [tilespmem:v45+s16+$0x0], $0xffff;
	v46 =	vmul.f32 v26, v23;
	v4 =	vadd.f32 v42, v4  }
0x122: {  	v51 =	vmul.f32 v28, v25;
	v54 =	vor.u32 $0x1B, v2;
	v13 =	vld.idx.msk [tilespmem:v58+s20+$0x0], $0xffff;
	v5 =	vadd.f32 v44, v5  }
0x123: {  	v52 =	vor.u32 $0x1B, v3;
	v58 =	vmul.f32 v11, v8;
	v18 =	vld.idx.msk [tilespmem:v60+s16+$0x0], $0xffff;
	v4 =	vadd.f32 v46, v4  }
0x124: {  	v60 =	vor.u32 $0x1C, v3;
	v47 =	vld.idx.msk [tilespmem:v36+s20+$0x0], $0xffff;
	v53 =	vmul.f32 v30, v29;
	v5 =	vadd.f32 v49, v5  }
0x125: {  	v48 =	vor.u32 $0x1A, v2;
	v17 =	vld.idx.msk [tilespmem:v62+s18+$0x0], $0xffff;
	v55 =	vmul.f32 v10, v29;
	v4 =	vadd.f32 v51, v4  }
0x126: {  	v50 =	vor.u32 $0x1A, v1;
	v32 =	vmul.f32 v12, v9;
	v12 =	vld.idx.msk [tilespmem:v34+s16+$0x0], $0xffff;
	v5 =	vadd.f32 v53, v5  }
0x127: {  	v33 =	vld.idx.msk [tilespmem:v54+s18+$0x0], $0xffff;
	v57 =	vor.u32 $0x1B, v1;
	v61 =	vmul.f32 v14, v8;
	v4 =	vadd.f32 v55, v4  }
0x128: {  	v31 =	vor.u32 $0x1C, v1;
	v30 =	vld.idx.msk [tilespmem:v52+s16+$0x0], $0xffff;
	v29 =	vmul.f32 v16, v9;
	v5 =	vadd.f32 v58, v5  }
0x129: {  	v39 =	vld.idx.msk [tilespmem:v60+s16+$0x0], $0xffff;
	v43 =	vmul.f32 v47, v18;
	v47 =	vor.u32 $0x1E, v1;
	v4 =	vadd.f32 v61, v4  }
0x12a: {  	v35 =	vmul.f32 v38, v15;
	v59 =	vld.idx.msk [tilespmem:v48+s18+$0x0], $0xffff;
	v63 =	vor.u32 $0x1C, v2;
	v5 =	vadd.f32 v29, v5  }
0x12b: {  	v38 =	vmul.f32 v13, v15;
	v62 =	vld.idx.msk [tilespmem:v50+s20+$0x0], $0xffff;
	v37 =	vor.u32 $0x1D, v2;
	v4 =	vadd.f32 v32, v4  }
0x12c: {  	v41 =	vmul.f32 v17, v18;
	v36 =	vld.idx.msk [tilespmem:v57+s20+$0x0], $0xffff;
	v40 =	vor.u32 $0x1D, v1;
	v5 =	vadd.f32 v35, v5  }
0x12d: {  	v42 =	vor.u32 $0x1E, v3;
	v44 =	vld.idx.msk [tilespmem:v31+s20+$0x0], $0xffff;
	v4 =	vadd.f32 v38, v4  }
0x12e: {  	v45 =	vor.u32 $0x1E, v2;
	v57 =	vld.idx.msk [tilespmem:v47+s20+$0x0], $0xffff;
	v46 =	vmul.f32 v20, v22;
	v5 =	vadd.f32 v41, v5  }
0x12f: {  	v48 =	vmul.f32 v21, v22;
	v2 =	vor.u32 $0x1F, v2;
	v14 =	vld.idx.msk [tilespmem:v63+s18+$0x0], $0xffff;
	v4 =	vadd.f32 v43, v4  }
0x130: {  	v3 =	vor.u32 $0x1F, v3;
	v50 =	vmul.f32 v59, v56;
	v49 =	vld.idx.msk [tilespmem:v37+s18+$0x0], $0xffff;
	v5 =	vadd.f32 v46, v5  }
0x131: {  	v1 =	vor.u32 $0x1F, v1;
	v52 =	vmul.f32 v62, v56;
	v51 =	vld.idx.msk [tilespmem:v40+s20+$0x0], $0xffff;
	v4 =	vadd.f32 v48, v4  }
0x132: {  	v54 =	vmul.f32 v33, v30;
	v53 =	vld.idx.msk [tilespmem:v42+s16+$0x0], $0xffff;
	v5 =	vadd.f32 v50, v5  }
0x133: {  	v56 =	vmul.f32 v36, v30;
	v55 =	vld.idx.msk [tilespmem:v45+s18+$0x0], $0xffff;
	v4 =	vadd.f32 v52, v4  }
0x134: {  	v2 =	vld.idx.msk [tilespmem:v2+s18+$0x0], $0xffff;
	v58 =	vmul.f32 v14, v39;
	v5 =	vadd.f32 v54, v5  }
0x135: {  	v3 =	vld.idx.msk [tilespmem:v3+s16+$0x0], $0xffff;
	v59 =	vmul.f32 v44, v39;
	v4 =	vadd.f32 v56, v4  }
0x136: {  	v1 =	vld.idx.msk [tilespmem:v1+s20+$0x0], $0xffff;
	v60 =	vmul.f32 v49, v12;
	v5 =	vadd.f32 v58, v5  }
0x137: {  	v61 =	vmul.f32 v51, v12;
	v4 =	vadd.f32 v59, v4  }
0x138: {  	v62 =	vmul.f32 v55, v53;
	v5 =	vadd.f32 v60, v5  }
0x139: {  	v63 =	vmul.f32 v57, v53;
	v4 =	vadd.f32 v61, v4  }
0x13a: {  	p0 =	sne.s32 s26, $0xF0;
	v2 =	vmul.f32 v2, v3;
	v5 =	vadd.f32 v62, v5  }
.Ltmp3:
0x13b: {  	v1 =	vmul.f32 v1, v3;
	v4 =	vadd.f32 v63, v4;
	(pc) =	sbr.rel @p0 .LBB2_8-.Ltmp3, $4  }
0x13c: {  	v2 =	vadd.f32 v2, v5  }
0x13d: {  	v1 =	vadd.f32 v1, v4  }
0x13e: {  	s30 =	sadd.s32 $0x10, s30;
	s31 =	sadd.s32 $0x10, s31;
	s25 =	sadd.s32 $0x10, s25;
	[tilespmem:s29+$0x0] =	vst v2  }
0x13f: {  	s26 =	sadd.s32 $0x10, s26;
	s29 =	sadd.s32 $0x10, s29;
	[tilespmem:s28+$0x0] =	vst v1;
	s28 =	sadd.s32 $0x10, s28  }
0x140: {  	[hbm4b:s8+s1] =	stream.linear.scatter [tilespmem:s22], [sflag:$0x2], $0x200, $0x38;
	[tilespmem:$0x18D00] =	vst v63  }
0x141: {  	s24 =	sadd.s32 $0x1, s24;
	_ =	swait.ge [sflag:s11], $0x200  }
0x142: {  	p0 =	sne.s32 s24, s10;
	[sflag:s11] =	ssyncset.done $0x0  }
.Ltmp4:
0x143: {  	[sflag:s11] =	ssyncadd.s32 $0xFFFFFE00;
	(pc) =	sbr.rel @p0 .LBB2_1-.Ltmp4, $4  }
0x144: {  	[hbm4b:s9+s1] =	stream.linear.scatter [tilespmem:s23], [sflag:$0x2], $0x200, $0x38;
	[tilespmem:$0x18D00] =	vst v63  }
0x145: {  	_ =	swait.ge [sflag:s11], $0x200  }
0x146: {  	[sflag:s11] =	ssyncset.done $0x0  }
0x147: {  	[sflag:s11] =	ssyncadd.s32 $0xFFFFFE00  }
0x148: {  	_ =	sfence.sel $0x180000  }
0x149: {  	[bflag:$0x0] =	sbarrier.arrive $0xFFFF  }
0x14a: {  	p0 =	sne.s32 s2, $0x0;
	_ =	strace $0x90000047  }
0x14b: {  	s0 =	sadd.s32 @!p0 $0x100000, s0;
	[bflag:$0x2] =	sbarrier.arrive $0xFFFF  }
0x14c: {  	[sflag:s0] =	ssyncadd.tile.s32 @!p0 $0x1;
	_ =	shalt  }
.Lfunc_end2:
_tile_overlayer_lowered:
.L_overlay_start_2:
0x14d: {  	(tag) =	ssettag $0x2  }
0x14e: {  	s0 =	rddreg [dreg:$0x0];
	s2 =	stileid.u32  }
0x14f: {  	s1 =	rddreg [dreg:$0x1];
	p0 =	sne.s32 s2, $0x0  }
0x150: {  	s3 =	rddreg [dreg:$0x2];
	[bflag:$0x3] =	sbarrier.arrive $0xFFFF;
	s2 =	simm.s32 @!p0 $0x1C02  }
0x151: {  	[timem:s3], [sflag:s2] =	dma.local @!p0 [hbm:s0], s1  }
0x152: {  	s0 =	simm.s32 @!p0 $0x2  }
0x153: {  	_ =	swait.ge @!p0 [sflag:s0], s1  }
0x154: {  	s1 =	ssub.s32 @!p0 $0x0, s1;
	[sflag:s0] =	ssyncset.done @!p0 $0x0  }
0x155: {  	[sflag:s0] =	ssyncadd.s32 @!p0 s1  }
0x156: {  	[bflag:$0x3] =	sbarrier.arrive $0xFFFF  }
0x157: {  	_ =	shalt  }

</sc_bundles>
